<compile_context>
chip_gen: v7x
topology: tpu7x:2x2x1
jax: 0.10.2.dev20260603
libtpu: 0.0.44.dev20260713+nightly
codegen_flags: <defaults>
</compile_context>

<pallas_src>
import functools
import jax
import jax.numpy as jnp
from jax import lax
from jax.experimental import pallas as pl
from jax.experimental.pallas import tpu as pltpu
from jax.experimental.pallas import tpu_sc as plsc

EPS = 1e-06
NUM_GROUPS = 4
D = 1024
GRP = 16


def _rsqrt16(v):
    i = plsc.bitcast(v, jnp.int32)
    i = jnp.int32(0x5F3759DF) - (i >> 1)
    y = plsc.bitcast(i, jnp.float32)
    half = v * 0.5
    for _ in range(3):
        y = y * (1.5 - half * y * y)
    return y


def _sc_body(x_hbm, tt_hbm, gb_hbm, o_hbm, in_v, tt_v, gb_v, out_v):
    n_elts = x_hbm.shape[0]
    n_tok = n_elts // D
    nw = 32
    rows_per_w = n_tok // nw
    wid = lax.axis_index("s") * 2 + lax.axis_index("c")
    base = wid * rows_per_w
    pltpu.sync_copy(gb_hbm, gb_v)
    iota16 = lax.iota(jnp.int32, 16)
    row_off = iota16 * D
    rot = iota16 * 65

    def group_body(g, _):
        row0 = base + g * GRP
        pltpu.sync_copy(x_hbm.at[pl.ds(row0 * D, GRP * D)], in_v)
        pltpu.sync_copy(tt_hbm.at[pl.ds(row0, GRP)], tt_v)
        gb_off = tt_v[...] * (2 * D)

        UNR = 16

        def stat_body(s, carry):
            j0 = s * UNR
            accs = list(carry)
            for u in range(UNR):
                jr = (rot + (j0 + u)) & (D - 1)
                v = plsc.load_gather(in_v, [row_off + jr])
                k = u % 4
                accs[k] = accs[k] + v
                accs[4 + k] = accs[4 + k] + v * v
            return tuple(accs)

        z = jnp.zeros((16,), jnp.float32)
        accs = lax.fori_loop(0, D // UNR, stat_body, (z,) * 8)
        acc = accs[0] + accs[1] + accs[2] + accs[3]
        acc2 = accs[4] + accs[5] + accs[6] + accs[7]
        mean = acc * (1.0 / D)
        var = acc2 * (1.0 / D) - mean * mean
        inv = _rsqrt16(var + EPS)

        def apply_body(s, _):
            j0 = s * UNR
            for u in range(UNR):
                jr = (rot + (j0 + u)) & (D - 1)
                v = plsc.load_gather(in_v, [row_off + jr])
                gj = plsc.load_gather(gb_v, [gb_off + jr])
                bj = plsc.load_gather(gb_v, [gb_off + (jr + D)])
                plsc.store_scatter(out_v, [row_off + jr],
                                   (v - mean) * inv * gj + bj)
            return 0

        lax.fori_loop(0, D // UNR, apply_body, 0)
        pltpu.sync_copy(out_v, o_hbm.at[pl.ds(row0 * D, GRP * D)])
        return 0

    lax.fori_loop(0, rows_per_w // GRP, group_body, 0)


def sc_kernel(xf, tt2, gbf):
    n_elts = xf.shape[0]
    mesh = plsc.VectorSubcoreMesh(core_axis_name="c", subcore_axis_name="s")
    fn = pl.kernel(
        _sc_body,
        mesh=mesh,
        out_type=jax.ShapeDtypeStruct((n_elts,), jnp.float32),
        scratch_types=[
            pltpu.VMEM((GRP * D,), jnp.float32),
            pltpu.VMEM((GRP,), jnp.int32),
            pltpu.VMEM((NUM_GROUPS * 2 * D,), jnp.float32),
            pltpu.VMEM((GRP * D,), jnp.float32),
        ],
        compiler_params=pltpu.CompilerParams(
            use_tc_tiling_on_sc=False, needs_layout_passes=False),
    )
    return fn(xf, tt2, gbf)


def kernel(x, token_types, gamma, beta):
    B, S, D_ = x.shape
    n_tok = B * S
    xf = x.reshape(n_tok * D_)
    tt2 = token_types.reshape(n_tok).astype(jnp.int32)
    gbf = jnp.concatenate([gamma, beta], axis=1).reshape(-1)
    return sc_kernel(xf, tt2, gbf).reshape(B, S, D_)

# --- scband reference (transcript-rebuilt; emitter-appended) ---
"""Pipeline reference for scband-group-layer-norm-29892972380601 (READ-ONLY COPY).

The authoritative reference and input builder live on the scoring server;
editing this copy changes nothing except your own understanding.
"""

import jax, jax.numpy as jnp
import numpy as np

B = 4
S = 2048
D_MODEL = 1024
NUM_GROUPS = 4
EPS = 1e-06


def setup_inputs(seed: int = 0) -> dict:
    key = jax.random.key(seed)
    k1, k2 = jax.random.split(key)
    x = jax.random.normal(k1, (B, S, D_MODEL), dtype=jnp.float32)
    token_types = jax.random.randint(k2, (B, S), 0, NUM_GROUPS, dtype=jnp.int64 if jax.config.jax_enable_x64 else jnp.int32)
    # Learned per-group LayerNorm params (torch default init: weight=1, bias=0)
    gamma = jnp.ones((NUM_GROUPS, D_MODEL), dtype=jnp.float32)
    beta = jnp.zeros((NUM_GROUPS, D_MODEL), dtype=jnp.float32)
    return {"x": x, "token_types": token_types, "gamma": gamma, "beta": beta}


def reference(x, token_types, gamma, beta):
    # LayerNorm statistics are per-token over the last dim, identical for all groups;
    # only the affine (weight, bias) differs per group. Equivalent to masking per group
    # and applying that group's nn.LayerNorm, since every token belongs to exactly one
    # group in [0, NUM_GROUPS).
    mean = jnp.mean(x, axis=-1, keepdims=True)
    var = jnp.mean((x - mean) ** 2, axis=-1, keepdims=True)  # biased var, matches torch LayerNorm
    normed = (x - mean) / jnp.sqrt(var + EPS)
    g = jnp.take(gamma, token_types, axis=0)  # (B, S, D) gather of per-group scale
    b = jnp.take(beta, token_types, axis=0)   # (B, S, D) gather of per-group shift
    return normed * g + b

if __name__ == "__main__":
    import jax
    _d = setup_inputs()
    print(jax.jit(kernel)(*tuple(_d.values())))

</pallas_src>

<mosaic_0001>
#map = affine_map<(d0, d1) -> (0)>
module attributes {stable_mosaic.version = 14 : i64} {
  func.func @_sc_body(%arg0: i32, %arg1: i32, %arg2: memref<8388608xf32, #tpu.memory_space<hbm>>, %arg3: memref<8192xi32, #tpu.memory_space<hbm>>, %arg4: memref<8192xf32, #tpu.memory_space<hbm>>, %arg5: memref<8388608xf32, #tpu.memory_space<hbm>>, %arg6: memref<16384xf32, #tpu.memory_space<vmem>>, %arg7: memref<16xi32, #tpu.memory_space<vmem>>, %arg8: memref<8192xf32, #tpu.memory_space<vmem>>, %arg9: memref<16384xf32, #tpu.memory_space<vmem>>) attributes {dimension_semantics = [#tpu.dimension_semantics<core_parallel>, #tpu.dimension_semantics<subcore_parallel>], iteration_bounds = array<i64: 2, 16>, scalar_prefetch = 0 : i64, scratch_operands = 4 : i64, tpu.core_type = #tpu.core_type<sc_vector_subcore>, window_params = [{transform_indices = #map}, {transform_indices = #map}, {transform_indices = #map}, {transform_indices = #map}]} {
    %mul3A = arith.constant 2 : i32
    %mul3A_0 = arith.muli %arg1, %mul3A : i32
    %add3A = arith.addi %mul3A_0, %arg0 : i32
    %mul3A_1 = arith.constant 256 : i32
    %mul3A_2 = arith.muli %add3A, %mul3A_1 : i32
    "tpu.region"() ({
      %run_scoped3A = tpu.sem_alloc : memref<!tpu.dma_semaphore, #tpu.memory_space<semaphore_mem>>
      tpu.enqueue_dma source(%arg4 : memref<8192xf32, #tpu.memory_space<hbm>>) target(%arg8 : memref<8192xf32, #tpu.memory_space<vmem>>) target_semaphore(%run_scoped3A : memref<!tpu.dma_semaphore, #tpu.memory_space<semaphore_mem>>)
      tpu.wait_dma2 semaphore(%run_scoped3A : memref<!tpu.dma_semaphore, #tpu.memory_space<semaphore_mem>>) src(%arg4 : memref<8192xf32, #tpu.memory_space<hbm>>) dst(%arg8 : memref<8192xf32, #tpu.memory_space<vmem>>)
      tpu.yield
    }) : () -> ()
    %iota3A = tpu.iota {dimensions = array<i32: 0>} : vector<16xi32>
    %mul3A_3 = arith.constant 1024 : i32
    %mul3A_4 = vector.broadcast %mul3A_3 : i32 to vector<16xi32>
    %mul3A_5 = arith.muli %iota3A, %mul3A_4 : vector<16xi32>
    %mul3A_6 = arith.constant 65 : i32
    %mul3A_7 = vector.broadcast %mul3A_6 : i32 to vector<16xi32>
    %mul3A_8 = arith.muli %iota3A, %mul3A_7 : vector<16xi32>
    %scan3A = arith.constant 0 : i32
    %scan3A_9 = arith.constant 0 : i32
    %scan3A_10 = arith.constant 16 : i32
    %scan3A_11 = arith.addi %scan3A_9, %scan3A_10 : i32
    %scan3A_12 = arith.constant 1 : i32
    %scan3A_13 = scf.for %scan3A_15 = %scan3A_9 to %scan3A_11 step %scan3A_12 iter_args(%scan3A_16 = %scan3A) -> (i32)  : i32 {
      %mul3A_17 = arith.constant 16 : i32
      %mul3A_18 = arith.muli %scan3A_15, %mul3A_17 : i32
      %add3A_19 = arith.addi %mul3A_2, %mul3A_18 : i32
      %mul3A_20 = arith.constant 1024 : i32
      %mul3A_21 = arith.muli %add3A_19, %mul3A_20 : i32
      "tpu.region"() ({
        %run_scoped3A = tpu.sem_alloc : memref<!tpu.dma_semaphore, #tpu.memory_space<semaphore_mem>>
        %dma_start3A = tpu.memref_slice %arg2[%mul3A_21] : memref<8388608xf32, #tpu.memory_space<hbm>> -> memref<16384xf32, #tpu.memory_space<hbm>>
        %dma_start3A_86 = tpu.memref_slice %arg2[%mul3A_21] : memref<8388608xf32, #tpu.memory_space<hbm>> -> memref<16384xf32, #tpu.memory_space<hbm>>
        tpu.enqueue_dma source(%dma_start3A_86 : memref<16384xf32, #tpu.memory_space<hbm>>) target(%arg6 : memref<16384xf32, #tpu.memory_space<vmem>>) target_semaphore(%run_scoped3A : memref<!tpu.dma_semaphore, #tpu.memory_space<semaphore_mem>>)
        %dma_wait3A = tpu.memref_slice %arg2[%mul3A_21] : memref<8388608xf32, #tpu.memory_space<hbm>> -> memref<16384xf32, #tpu.memory_space<hbm>>
        %dma_wait3A_87 = tpu.memref_slice %arg2[%mul3A_21] : memref<8388608xf32, #tpu.memory_space<hbm>> -> memref<16384xf32, #tpu.memory_space<hbm>>
        tpu.wait_dma2 semaphore(%run_scoped3A : memref<!tpu.dma_semaphore, #tpu.memory_space<semaphore_mem>>) src(%dma_wait3A_87 : memref<16384xf32, #tpu.memory_space<hbm>>) dst(%arg6 : memref<16384xf32, #tpu.memory_space<vmem>>)
        tpu.yield
      }) : () -> ()
      "tpu.region"() ({
        %run_scoped3A = tpu.sem_alloc : memref<!tpu.dma_semaphore, #tpu.memory_space<semaphore_mem>>
        %dma_start3A = tpu.memref_slice %arg3[%add3A_19] : memref<8192xi32, #tpu.memory_space<hbm>> -> memref<16xi32, #tpu.memory_space<hbm>>
        %dma_start3A_86 = tpu.memref_slice %arg3[%add3A_19] : memref<8192xi32, #tpu.memory_space<hbm>> -> memref<16xi32, #tpu.memory_space<hbm>>
        tpu.enqueue_dma source(%dma_start3A_86 : memref<16xi32, #tpu.memory_space<hbm>>) target(%arg7 : memref<16xi32, #tpu.memory_space<vmem>>) target_semaphore(%run_scoped3A : memref<!tpu.dma_semaphore, #tpu.memory_space<semaphore_mem>>)
        %dma_wait3A = tpu.memref_slice %arg3[%add3A_19] : memref<8192xi32, #tpu.memory_space<hbm>> -> memref<16xi32, #tpu.memory_space<hbm>>
        %dma_wait3A_87 = tpu.memref_slice %arg3[%add3A_19] : memref<8192xi32, #tpu.memory_space<hbm>> -> memref<16xi32, #tpu.memory_space<hbm>>
        tpu.wait_dma2 semaphore(%run_scoped3A : memref<!tpu.dma_semaphore, #tpu.memory_space<semaphore_mem>>) src(%dma_wait3A_87 : memref<16xi32, #tpu.memory_space<hbm>>) dst(%arg7 : memref<16xi32, #tpu.memory_space<vmem>>)
        tpu.yield
      }) : () -> ()
      %get3A = arith.constant 0 : index
      %get3A_22 = tpu.vector_load %arg7[%get3A] {strides = array<i32>} : memref<16xi32, #tpu.memory_space<vmem>>, vector<16xi32>,
      %mul3A_23 = arith.constant 2048 : i32
      %mul3A_24 = vector.broadcast %mul3A_23 : i32 to vector<16xi32>
      %mul3A_25 = arith.muli %get3A_22, %mul3A_24 : vector<16xi32>
      %broadcast_in_dim3A = arith.constant 0.000000e+00 : f32
      %broadcast_in_dim3A_26 = vector.broadcast %broadcast_in_dim3A : f32 to vector<16xf32>
      %scan3A_27 = arith.constant 0 : i32
      %scan3A_28 = arith.constant 64 : i32
      %scan3A_29 = arith.addi %scan3A_27, %scan3A_28 : i32
      %scan3A_30 = arith.constant 1 : i32
      %scan3A_31:8 = scf.for %scan3A_86 = %scan3A_27 to %scan3A_29 step %scan3A_30 iter_args(%scan3A_87 = %broadcast_in_dim3A_26, %scan3A_88 = %broadcast_in_dim3A_26, %scan3A_89 = %broadcast_in_dim3A_26, %scan3A_90 = %broadcast_in_dim3A_26, %scan3A_91 = %broadcast_in_dim3A_26, %scan3A_92 = %broadcast_in_dim3A_26, %scan3A_93 = %broadcast_in_dim3A_26, %scan3A_94 = %broadcast_in_dim3A_26) -> (vector<16xf32>, vector<16xf32>, vector<16xf32>, vector<16xf32>, vector<16xf32>, vector<16xf32>, vector<16xf32>, vector<16xf32>)  : i32 {
        %mul3A_95 = arith.constant 16 : i32
        %mul3A_96 = arith.muli %scan3A_86, %mul3A_95 : i32
        %add3A_97 = arith.constant 0 : i32
        %add3A_98 = arith.addi %mul3A_96, %add3A_97 : i32
        %add3A_99 = vector.broadcast %add3A_98 : i32 to vector<16xi32>
        %add3A_100 = arith.addi %mul3A_8, %add3A_99 : vector<16xi32>
        %and3A = arith.constant 1023 : i32
        %and3A_101 = vector.broadcast %and3A : i32 to vector<16xi32>
        %and3A_102 = arith.andi %add3A_100, %and3A_101 : vector<16xi32>
        %add3A_103 = arith.addi %mul3A_5, %and3A_102 : vector<16xi32>
        %gather3A = tpu.vector_load_idx %arg6[%add3A_103] : memref<16384xf32, #tpu.memory_space<vmem>>[vector<16xi32>], vector<16xf32>,
        %add3A_104 = arith.addf %scan3A_87, %gather3A : vector<16xf32>
        %mul3A_105 = arith.mulf %gather3A, %gather3A : vector<16xf32>
        %add3A_106 = arith.addf %scan3A_91, %mul3A_105 : vector<16xf32>
        %add3A_107 = arith.constant 1 : i32
        %add3A_108 = arith.addi %mul3A_96, %add3A_107 : i32
        %add3A_109 = vector.broadcast %add3A_108 : i32 to vector<16xi32>
        %add3A_110 = arith.addi %mul3A_8, %add3A_109 : vector<16xi32>
        %and3A_111 = arith.constant 1023 : i32
        %and3A_112 = vector.broadcast %and3A_111 : i32 to vector<16xi32>
        %and3A_113 = arith.andi %add3A_110, %and3A_112 : vector<16xi32>
        %add3A_114 = arith.addi %mul3A_5, %and3A_113 : vector<16xi32>
        %gather3A_115 = tpu.vector_load_idx %arg6[%add3A_114] : memref<16384xf32, #tpu.memory_space<vmem>>[vector<16xi32>], vector<16xf32>,
        %add3A_116 = arith.addf %scan3A_88, %gather3A_115 : vector<16xf32>
        %mul3A_117 = arith.mulf %gather3A_115, %gather3A_115 : vector<16xf32>
        %add3A_118 = arith.addf %scan3A_92, %mul3A_117 : vector<16xf32>
        %add3A_119 = arith.constant 2 : i32
        %add3A_120 = arith.addi %mul3A_96, %add3A_119 : i32
        %add3A_121 = vector.broadcast %add3A_120 : i32 to vector<16xi32>
        %add3A_122 = arith.addi %mul3A_8, %add3A_121 : vector<16xi32>
        %and3A_123 = arith.constant 1023 : i32
        %and3A_124 = vector.broadcast %and3A_123 : i32 to vector<16xi32>
        %and3A_125 = arith.andi %add3A_122, %and3A_124 : vector<16xi32>
        %add3A_126 = arith.addi %mul3A_5, %and3A_125 : vector<16xi32>
        %gather3A_127 = tpu.vector_load_idx %arg6[%add3A_126] : memref<16384xf32, #tpu.memory_space<vmem>>[vector<16xi32>], vector<16xf32>,
        %add3A_128 = arith.addf %scan3A_89, %gather3A_127 : vector<16xf32>
        %mul3A_129 = arith.mulf %gather3A_127, %gather3A_127 : vector<16xf32>
        %add3A_130 = arith.addf %scan3A_93, %mul3A_129 : vector<16xf32>
        %add3A_131 = arith.constant 3 : i32
        %add3A_132 = arith.addi %mul3A_96, %add3A_131 : i32
        %add3A_133 = vector.broadcast %add3A_132 : i32 to vector<16xi32>
        %add3A_134 = arith.addi %mul3A_8, %add3A_133 : vector<16xi32>
        %and3A_135 = arith.constant 1023 : i32
        %and3A_136 = vector.broadcast %and3A_135 : i32 to vector<16xi32>
        %and3A_137 = arith.andi %add3A_134, %and3A_136 : vector<16xi32>
        %add3A_138 = arith.addi %mul3A_5, %and3A_137 : vector<16xi32>
        %gather3A_139 = tpu.vector_load_idx %arg6[%add3A_138] : memref<16384xf32, #tpu.memory_space<vmem>>[vector<16xi32>], vector<16xf32>,
        %add3A_140 = arith.addf %scan3A_90, %gather3A_139 : vector<16xf32>
        %mul3A_141 = arith.mulf %gather3A_139, %gather3A_139 : vector<16xf32>
        %add3A_142 = arith.addf %scan3A_94, %mul3A_141 : vector<16xf32>
        %add3A_143 = arith.constant 4 : i32
        %add3A_144 = arith.addi %mul3A_96, %add3A_143 : i32
        %add3A_145 = vector.broadcast %add3A_144 : i32 to vector<16xi32>
        %add3A_146 = arith.addi %mul3A_8, %add3A_145 : vector<16xi32>
        %and3A_147 = arith.constant 1023 : i32
        %and3A_148 = vector.broadcast %and3A_147 : i32 to vector<16xi32>
        %and3A_149 = arith.andi %add3A_146, %and3A_148 : vector<16xi32>
        %add3A_150 = arith.addi %mul3A_5, %and3A_149 : vector<16xi32>
        %gather3A_151 = tpu.vector_load_idx %arg6[%add3A_150] : memref<16384xf32, #tpu.memory_space<vmem>>[vector<16xi32>], vector<16xf32>,
        %add3A_152 = arith.addf %add3A_104, %gather3A_151 : vector<16xf32>
        %mul3A_153 = arith.mulf %gather3A_151, %gather3A_151 : vector<16xf32>
        %add3A_154 = arith.addf %add3A_106, %mul3A_153 : vector<16xf32>
        %add3A_155 = arith.constant 5 : i32
        %add3A_156 = arith.addi %mul3A_96, %add3A_155 : i32
        %add3A_157 = vector.broadcast %add3A_156 : i32 to vector<16xi32>
        %add3A_158 = arith.addi %mul3A_8, %add3A_157 : vector<16xi32>
        %and3A_159 = arith.constant 1023 : i32
        %and3A_160 = vector.broadcast %and3A_159 : i32 to vector<16xi32>
        %and3A_161 = arith.andi %add3A_158, %and3A_160 : vector<16xi32>
        %add3A_162 = arith.addi %mul3A_5, %and3A_161 : vector<16xi32>
        %gather3A_163 = tpu.vector_load_idx %arg6[%add3A_162] : memref<16384xf32, #tpu.memory_space<vmem>>[vector<16xi32>], vector<16xf32>,
        %add3A_164 = arith.addf %add3A_116, %gather3A_163 : vector<16xf32>
        %mul3A_165 = arith.mulf %gather3A_163, %gather3A_163 : vector<16xf32>
        %add3A_166 = arith.addf %add3A_118, %mul3A_165 : vector<16xf32>
        %add3A_167 = arith.constant 6 : i32
        %add3A_168 = arith.addi %mul3A_96, %add3A_167 : i32
        %add3A_169 = vector.broadcast %add3A_168 : i32 to vector<16xi32>
        %add3A_170 = arith.addi %mul3A_8, %add3A_169 : vector<16xi32>
        %and3A_171 = arith.constant 1023 : i32
        %and3A_172 = vector.broadcast %and3A_171 : i32 to vector<16xi32>
        %and3A_173 = arith.andi %add3A_170, %and3A_172 : vector<16xi32>
        %add3A_174 = arith.addi %mul3A_5, %and3A_173 : vector<16xi32>
        %gather3A_175 = tpu.vector_load_idx %arg6[%add3A_174] : memref<16384xf32, #tpu.memory_space<vmem>>[vector<16xi32>], vector<16xf32>,
        %add3A_176 = arith.addf %add3A_128, %gather3A_175 : vector<16xf32>
        %mul3A_177 = arith.mulf %gather3A_175, %gather3A_175 : vector<16xf32>
        %add3A_178 = arith.addf %add3A_130, %mul3A_177 : vector<16xf32>
        %add3A_179 = arith.constant 7 : i32
        %add3A_180 = arith.addi %mul3A_96, %add3A_179 : i32
        %add3A_181 = vector.broadcast %add3A_180 : i32 to vector<16xi32>
        %add3A_182 = arith.addi %mul3A_8, %add3A_181 : vector<16xi32>
        %and3A_183 = arith.constant 1023 : i32
        %and3A_184 = vector.broadcast %and3A_183 : i32 to vector<16xi32>
        %and3A_185 = arith.andi %add3A_182, %and3A_184 : vector<16xi32>
        %add3A_186 = arith.addi %mul3A_5, %and3A_185 : vector<16xi32>
        %gather3A_187 = tpu.vector_load_idx %arg6[%add3A_186] : memref<16384xf32, #tpu.memory_space<vmem>>[vector<16xi32>], vector<16xf32>,
        %add3A_188 = arith.addf %add3A_140, %gather3A_187 : vector<16xf32>
        %mul3A_189 = arith.mulf %gather3A_187, %gather3A_187 : vector<16xf32>
        %add3A_190 = arith.addf %add3A_142, %mul3A_189 : vector<16xf32>
        %add3A_191 = arith.constant 8 : i32
        %add3A_192 = arith.addi %mul3A_96, %add3A_191 : i32
        %add3A_193 = vector.broadcast %add3A_192 : i32 to vector<16xi32>
        %add3A_194 = arith.addi %mul3A_8, %add3A_193 : vector<16xi32>
        %and3A_195 = arith.constant 1023 : i32
        %and3A_196 = vector.broadcast %and3A_195 : i32 to vector<16xi32>
        %and3A_197 = arith.andi %add3A_194, %and3A_196 : vector<16xi32>
        %add3A_198 = arith.addi %mul3A_5, %and3A_197 : vector<16xi32>
        %gather3A_199 = tpu.vector_load_idx %arg6[%add3A_198] : memref<16384xf32, #tpu.memory_space<vmem>>[vector<16xi32>], vector<16xf32>,
        %add3A_200 = arith.addf %add3A_152, %gather3A_199 : vector<16xf32>
        %mul3A_201 = arith.mulf %gather3A_199, %gather3A_199 : vector<16xf32>
        %add3A_202 = arith.addf %add3A_154, %mul3A_201 : vector<16xf32>
        %add3A_203 = arith.constant 9 : i32
        %add3A_204 = arith.addi %mul3A_96, %add3A_203 : i32
        %add3A_205 = vector.broadcast %add3A_204 : i32 to vector<16xi32>
        %add3A_206 = arith.addi %mul3A_8, %add3A_205 : vector<16xi32>
        %and3A_207 = arith.constant 1023 : i32
        %and3A_208 = vector.broadcast %and3A_207 : i32 to vector<16xi32>
        %and3A_209 = arith.andi %add3A_206, %and3A_208 : vector<16xi32>
        %add3A_210 = arith.addi %mul3A_5, %and3A_209 : vector<16xi32>
        %gather3A_211 = tpu.vector_load_idx %arg6[%add3A_210] : memref<16384xf32, #tpu.memory_space<vmem>>[vector<16xi32>], vector<16xf32>,
        %add3A_212 = arith.addf %add3A_164, %gather3A_211 : vector<16xf32>
        %mul3A_213 = arith.mulf %gather3A_211, %gather3A_211 : vector<16xf32>
        %add3A_214 = arith.addf %add3A_166, %mul3A_213 : vector<16xf32>
        %add3A_215 = arith.constant 10 : i32
        %add3A_216 = arith.addi %mul3A_96, %add3A_215 : i32
        %add3A_217 = vector.broadcast %add3A_216 : i32 to vector<16xi32>
        %add3A_218 = arith.addi %mul3A_8, %add3A_217 : vector<16xi32>
        %and3A_219 = arith.constant 1023 : i32
        %and3A_220 = vector.broadcast %and3A_219 : i32 to vector<16xi32>
        %and3A_221 = arith.andi %add3A_218, %and3A_220 : vector<16xi32>
        %add3A_222 = arith.addi %mul3A_5, %and3A_221 : vector<16xi32>
        %gather3A_223 = tpu.vector_load_idx %arg6[%add3A_222] : memref<16384xf32, #tpu.memory_space<vmem>>[vector<16xi32>], vector<16xf32>,
        %add3A_224 = arith.addf %add3A_176, %gather3A_223 : vector<16xf32>
        %mul3A_225 = arith.mulf %gather3A_223, %gather3A_223 : vector<16xf32>
        %add3A_226 = arith.addf %add3A_178, %mul3A_225 : vector<16xf32>
        %add3A_227 = arith.constant 11 : i32
        %add3A_228 = arith.addi %mul3A_96, %add3A_227 : i32
        %add3A_229 = vector.broadcast %add3A_228 : i32 to vector<16xi32>
        %add3A_230 = arith.addi %mul3A_8, %add3A_229 : vector<16xi32>
        %and3A_231 = arith.constant 1023 : i32
        %and3A_232 = vector.broadcast %and3A_231 : i32 to vector<16xi32>
        %and3A_233 = arith.andi %add3A_230, %and3A_232 : vector<16xi32>
        %add3A_234 = arith.addi %mul3A_5, %and3A_233 : vector<16xi32>
        %gather3A_235 = tpu.vector_load_idx %arg6[%add3A_234] : memref<16384xf32, #tpu.memory_space<vmem>>[vector<16xi32>], vector<16xf32>,
        %add3A_236 = arith.addf %add3A_188, %gather3A_235 : vector<16xf32>
        %mul3A_237 = arith.mulf %gather3A_235, %gather3A_235 : vector<16xf32>
        %add3A_238 = arith.addf %add3A_190, %mul3A_237 : vector<16xf32>
        %add3A_239 = arith.constant 12 : i32
        %add3A_240 = arith.addi %mul3A_96, %add3A_239 : i32
        %add3A_241 = vector.broadcast %add3A_240 : i32 to vector<16xi32>
        %add3A_242 = arith.addi %mul3A_8, %add3A_241 : vector<16xi32>
        %and3A_243 = arith.constant 1023 : i32
        %and3A_244 = vector.broadcast %and3A_243 : i32 to vector<16xi32>
        %and3A_245 = arith.andi %add3A_242, %and3A_244 : vector<16xi32>
        %add3A_246 = arith.addi %mul3A_5, %and3A_245 : vector<16xi32>
        %gather3A_247 = tpu.vector_load_idx %arg6[%add3A_246] : memref<16384xf32, #tpu.memory_space<vmem>>[vector<16xi32>], vector<16xf32>,
        %add3A_248 = arith.addf %add3A_200, %gather3A_247 : vector<16xf32>
        %mul3A_249 = arith.mulf %gather3A_247, %gather3A_247 : vector<16xf32>
        %add3A_250 = arith.addf %add3A_202, %mul3A_249 : vector<16xf32>
        %add3A_251 = arith.constant 13 : i32
        %add3A_252 = arith.addi %mul3A_96, %add3A_251 : i32
        %add3A_253 = vector.broadcast %add3A_252 : i32 to vector<16xi32>
        %add3A_254 = arith.addi %mul3A_8, %add3A_253 : vector<16xi32>
        %and3A_255 = arith.constant 1023 : i32
        %and3A_256 = vector.broadcast %and3A_255 : i32 to vector<16xi32>
        %and3A_257 = arith.andi %add3A_254, %and3A_256 : vector<16xi32>
        %add3A_258 = arith.addi %mul3A_5, %and3A_257 : vector<16xi32>
        %gather3A_259 = tpu.vector_load_idx %arg6[%add3A_258] : memref<16384xf32, #tpu.memory_space<vmem>>[vector<16xi32>], vector<16xf32>,
        %add3A_260 = arith.addf %add3A_212, %gather3A_259 : vector<16xf32>
        %mul3A_261 = arith.mulf %gather3A_259, %gather3A_259 : vector<16xf32>
        %add3A_262 = arith.addf %add3A_214, %mul3A_261 : vector<16xf32>
        %add3A_263 = arith.constant 14 : i32
        %add3A_264 = arith.addi %mul3A_96, %add3A_263 : i32
        %add3A_265 = vector.broadcast %add3A_264 : i32 to vector<16xi32>
        %add3A_266 = arith.addi %mul3A_8, %add3A_265 : vector<16xi32>
        %and3A_267 = arith.constant 1023 : i32
        %and3A_268 = vector.broadcast %and3A_267 : i32 to vector<16xi32>
        %and3A_269 = arith.andi %add3A_266, %and3A_268 : vector<16xi32>
        %add3A_270 = arith.addi %mul3A_5, %and3A_269 : vector<16xi32>
        %gather3A_271 = tpu.vector_load_idx %arg6[%add3A_270] : memref<16384xf32, #tpu.memory_space<vmem>>[vector<16xi32>], vector<16xf32>,
        %add3A_272 = arith.addf %add3A_224, %gather3A_271 : vector<16xf32>
        %mul3A_273 = arith.mulf %gather3A_271, %gather3A_271 : vector<16xf32>
        %add3A_274 = arith.addf %add3A_226, %mul3A_273 : vector<16xf32>
        %add3A_275 = arith.constant 15 : i32
        %add3A_276 = arith.addi %mul3A_96, %add3A_275 : i32
        %add3A_277 = vector.broadcast %add3A_276 : i32 to vector<16xi32>
        %add3A_278 = arith.addi %mul3A_8, %add3A_277 : vector<16xi32>
        %and3A_279 = arith.constant 1023 : i32
        %and3A_280 = vector.broadcast %and3A_279 : i32 to vector<16xi32>
        %and3A_281 = arith.andi %add3A_278, %and3A_280 : vector<16xi32>
        %add3A_282 = arith.addi %mul3A_5, %and3A_281 : vector<16xi32>
        %gather3A_283 = tpu.vector_load_idx %arg6[%add3A_282] : memref<16384xf32, #tpu.memory_space<vmem>>[vector<16xi32>], vector<16xf32>,
        %add3A_284 = arith.addf %add3A_236, %gather3A_283 : vector<16xf32>
        %mul3A_285 = arith.mulf %gather3A_283, %gather3A_283 : vector<16xf32>
        %add3A_286 = arith.addf %add3A_238, %mul3A_285 : vector<16xf32>
        scf.yield %add3A_248, %add3A_260, %add3A_272, %add3A_284, %add3A_250, %add3A_262, %add3A_274, %add3A_286 : vector<16xf32>, vector<16xf32>, vector<16xf32>, vector<16xf32>, vector<16xf32>, vector<16xf32>, vector<16xf32>, vector<16xf32>
      }
      %scan3A_32 = arith.constant 64 : i32
      %add3A_33 = arith.addf %scan3A_31#0, %scan3A_31#1 : vector<16xf32>
      %add3A_34 = arith.addf %add3A_33, %scan3A_31#2 : vector<16xf32>
      %add3A_35 = arith.addf %add3A_34, %scan3A_31#3 : vector<16xf32>
      %add3A_36 = arith.addf %scan3A_31#4, %scan3A_31#5 : vector<16xf32>
      %add3A_37 = arith.addf %add3A_36, %scan3A_31#6 : vector<16xf32>
      %add3A_38 = arith.addf %add3A_37, %scan3A_31#7 : vector<16xf32>
      %mul3A_39 = arith.constant 9.765625E-4 : f32
      %mul3A_40 = vector.broadcast %mul3A_39 : f32 to vector<16xf32>
      %mul3A_41 = arith.mulf %add3A_35, %mul3A_40 : vector<16xf32>
      %mul3A_42 = arith.constant 9.765625E-4 : f32
      %mul3A_43 = vector.broadcast %mul3A_42 : f32 to vector<16xf32>
      %mul3A_44 = arith.mulf %add3A_38, %mul3A_43 : vector<16xf32>
      %mul3A_45 = arith.mulf %mul3A_41, %mul3A_41 : vector<16xf32>
      %sub3A = arith.subf %mul3A_44, %mul3A_45 : vector<16xf32>
      %add3A_46 = arith.constant 9.99999997E-7 : f32
      %add3A_47 = vector.broadcast %add3A_46 : f32 to vector<16xf32>
      %add3A_48 = arith.addf %sub3A, %add3A_47 : vector<16xf32>
      %bitcast3A = vector.bitcast %add3A_48 : vector<16xf32> to vector<16xi32>
      %shift_right_arithmetic3A = arith.constant 1 : i32
      %shift_right_arithmetic3A_49 = vector.broadcast %shift_right_arithmetic3A : i32 to vector<16xi32>
      %shift_right_arithmetic3A_50 = arith.shrsi %bitcast3A, %shift_right_arithmetic3A_49 : vector<16xi32>
      %sub3A_51 = arith.constant 1597463007 : i32
      %sub3A_52 = vector.broadcast %sub3A_51 : i32 to vector<16xi32>
      %sub3A_53 = arith.subi %sub3A_52, %shift_right_arithmetic3A_50 : vector<16xi32>
      %bitcast3A_54 = vector.bitcast %sub3A_53 : vector<16xi32> to vector<16xf32>
      %mul3A_55 = arith.constant 5.000000e-01 : f32
      %mul3A_56 = vector.broadcast %mul3A_55 : f32 to vector<16xf32>
      %mul3A_57 = arith.mulf %add3A_48, %mul3A_56 : vector<16xf32>
      %mul3A_58 = arith.mulf %mul3A_57, %bitcast3A_54 : vector<16xf32>
      %mul3A_59 = arith.mulf %mul3A_58, %bitcast3A_54 : vector<16xf32>
      %sub3A_60 = arith.constant 1.500000e+00 : f32
      %sub3A_61 = vector.broadcast %sub3A_60 : f32 to vector<16xf32>
      %sub3A_62 = arith.subf %sub3A_61, %mul3A_59 : vector<16xf32>
      %mul3A_63 = arith.mulf %bitcast3A_54, %sub3A_62 : vector<16xf32>
      %mul3A_64 = arith.mulf %mul3A_57, %mul3A_63 : vector<16xf32>
      %mul3A_65 = arith.mulf %mul3A_64, %mul3A_63 : vector<16xf32>
      %sub3A_66 = arith.constant 1.500000e+00 : f32
      %sub3A_67 = vector.broadcast %sub3A_66 : f32 to vector<16xf32>
      %sub3A_68 = arith.subf %sub3A_67, %mul3A_65 : vector<16xf32>
      %mul3A_69 = arith.mulf %mul3A_63, %sub3A_68 : vector<16xf32>
      %mul3A_70 = arith.mulf %mul3A_57, %mul3A_69 : vector<16xf32>
      %mul3A_71 = arith.mulf %mul3A_70, %mul3A_69 : vector<16xf32>
      %sub3A_72 = arith.constant 1.500000e+00 : f32
      %sub3A_73 = vector.broadcast %sub3A_72 : f32 to vector<16xf32>
      %sub3A_74 = arith.subf %sub3A_73, %mul3A_71 : vector<16xf32>
      %mul3A_75 = arith.mulf %mul3A_69, %sub3A_74 : vector<16xf32>
      %scan3A_76 = arith.constant 0 : i32
      %scan3A_77 = arith.constant 0 : i32
      %scan3A_78 = arith.constant 64 : i32
      %scan3A_79 = arith.addi %scan3A_77, %scan3A_78 : i32
      %scan3A_80 = arith.constant 1 : i32
      %scan3A_81 = scf.for %scan3A_86 = %scan3A_77 to %scan3A_79 step %scan3A_80 iter_args(%scan3A_87 = %scan3A_76) -> (i32)  : i32 {
        %mul3A_88 = arith.constant 16 : i32
        %mul3A_89 = arith.muli %scan3A_86, %mul3A_88 : i32
        %add3A_90 = arith.constant 0 : i32
        %add3A_91 = arith.addi %mul3A_89, %add3A_90 : i32
        %add3A_92 = vector.broadcast %add3A_91 : i32 to vector<16xi32>
        %add3A_93 = arith.addi %mul3A_8, %add3A_92 : vector<16xi32>
        %and3A = arith.constant 1023 : i32
        %and3A_94 = vector.broadcast %and3A : i32 to vector<16xi32>
        %and3A_95 = arith.andi %add3A_93, %and3A_94 : vector<16xi32>
        %add3A_96 = arith.addi %mul3A_5, %and3A_95 : vector<16xi32>
        %gather3A = tpu.vector_load_idx %arg6[%add3A_96] : memref<16384xf32, #tpu.memory_space<vmem>>[vector<16xi32>], vector<16xf32>,
        %add3A_97 = arith.addi %mul3A_25, %and3A_95 : vector<16xi32>
        %gather3A_98 = tpu.vector_load_idx %arg8[%add3A_97] : memref<8192xf32, #tpu.memory_space<vmem>>[vector<16xi32>], vector<16xf32>,
        %add3A_99 = arith.constant 1024 : i32
        %add3A_100 = vector.broadcast %add3A_99 : i32 to vector<16xi32>
        %add3A_101 = arith.addi %and3A_95, %add3A_100 : vector<16xi32>
        %add3A_102 = arith.addi %mul3A_25, %add3A_101 : vector<16xi32>
        %gather3A_103 = tpu.vector_load_idx %arg8[%add3A_102] : memref<8192xf32, #tpu.memory_space<vmem>>[vector<16xi32>], vector<16xf32>,
        %add3A_104 = arith.addi %mul3A_5, %and3A_95 : vector<16xi32>
        %sub3A_105 = arith.subf %gather3A, %mul3A_41 : vector<16xf32>
        %mul3A_106 = arith.mulf %sub3A_105, %mul3A_75 : vector<16xf32>
        %mul3A_107 = arith.mulf %mul3A_106, %gather3A_98 : vector<16xf32>
        %add3A_108 = arith.addf %mul3A_107, %gather3A_103 : vector<16xf32>
        tpu.vector_store_idx %arg9[%add3A_104], %add3A_108 : memref<16384xf32, #tpu.memory_space<vmem>>[vector<16xi32>], vector<16xf32>,
        %add3A_109 = arith.constant 1 : i32
        %add3A_110 = arith.addi %mul3A_89, %add3A_109 : i32
        %add3A_111 = vector.broadcast %add3A_110 : i32 to vector<16xi32>
        %add3A_112 = arith.addi %mul3A_8, %add3A_111 : vector<16xi32>
        %and3A_113 = arith.constant 1023 : i32
        %and3A_114 = vector.broadcast %and3A_113 : i32 to vector<16xi32>
        %and3A_115 = arith.andi %add3A_112, %and3A_114 : vector<16xi32>
        %add3A_116 = arith.addi %mul3A_5, %and3A_115 : vector<16xi32>
        %gather3A_117 = tpu.vector_load_idx %arg6[%add3A_116] : memref<16384xf32, #tpu.memory_space<vmem>>[vector<16xi32>], vector<16xf32>,
        %add3A_118 = arith.addi %mul3A_25, %and3A_115 : vector<16xi32>
        %gather3A_119 = tpu.vector_load_idx %arg8[%add3A_118] : memref<8192xf32, #tpu.memory_space<vmem>>[vector<16xi32>], vector<16xf32>,
        %add3A_120 = arith.constant 1024 : i32
        %add3A_121 = vector.broadcast %add3A_120 : i32 to vector<16xi32>
        %add3A_122 = arith.addi %and3A_115, %add3A_121 : vector<16xi32>
        %add3A_123 = arith.addi %mul3A_25, %add3A_122 : vector<16xi32>
        %gather3A_124 = tpu.vector_load_idx %arg8[%add3A_123] : memref<8192xf32, #tpu.memory_space<vmem>>[vector<16xi32>], vector<16xf32>,
        %add3A_125 = arith.addi %mul3A_5, %and3A_115 : vector<16xi32>
        %sub3A_126 = arith.subf %gather3A_117, %mul3A_41 : vector<16xf32>
        %mul3A_127 = arith.mulf %sub3A_126, %mul3A_75 : vector<16xf32>
        %mul3A_128 = arith.mulf %mul3A_127, %gather3A_119 : vector<16xf32>
        %add3A_129 = arith.addf %mul3A_128, %gather3A_124 : vector<16xf32>
        tpu.vector_store_idx %arg9[%add3A_125], %add3A_129 : memref<16384xf32, #tpu.memory_space<vmem>>[vector<16xi32>], vector<16xf32>,
        %add3A_130 = arith.constant 2 : i32
        %add3A_131 = arith.addi %mul3A_89, %add3A_130 : i32
        %add3A_132 = vector.broadcast %add3A_131 : i32 to vector<16xi32>
        %add3A_133 = arith.addi %mul3A_8, %add3A_132 : vector<16xi32>
        %and3A_134 = arith.constant 1023 : i32
        %and3A_135 = vector.broadcast %and3A_134 : i32 to vector<16xi32>
        %and3A_136 = arith.andi %add3A_133, %and3A_135 : vector<16xi32>
        %add3A_137 = arith.addi %mul3A_5, %and3A_136 : vector<16xi32>
        %gather3A_138 = tpu.vector_load_idx %arg6[%add3A_137] : memref<16384xf32, #tpu.memory_space<vmem>>[vector<16xi32>], vector<16xf32>,
        %add3A_139 = arith.addi %mul3A_25, %and3A_136 : vector<16xi32>
        %gather3A_140 = tpu.vector_load_idx %arg8[%add3A_139] : memref<8192xf32, #tpu.memory_space<vmem>>[vector<16xi32>], vector<16xf32>,
        %add3A_141 = arith.constant 1024 : i32
        %add3A_142 = vector.broadcast %add3A_141 : i32 to vector<16xi32>
        %add3A_143 = arith.addi %and3A_136, %add3A_142 : vector<16xi32>
        %add3A_144 = arith.addi %mul3A_25, %add3A_143 : vector<16xi32>
        %gather3A_145 = tpu.vector_load_idx %arg8[%add3A_144] : memref<8192xf32, #tpu.memory_space<vmem>>[vector<16xi32>], vector<16xf32>,
        %add3A_146 = arith.addi %mul3A_5, %and3A_136 : vector<16xi32>
        %sub3A_147 = arith.subf %gather3A_138, %mul3A_41 : vector<16xf32>
        %mul3A_148 = arith.mulf %sub3A_147, %mul3A_75 : vector<16xf32>
        %mul3A_149 = arith.mulf %mul3A_148, %gather3A_140 : vector<16xf32>
        %add3A_150 = arith.addf %mul3A_149, %gather3A_145 : vector<16xf32>
        tpu.vector_store_idx %arg9[%add3A_146], %add3A_150 : memref<16384xf32, #tpu.memory_space<vmem>>[vector<16xi32>], vector<16xf32>,
        %add3A_151 = arith.constant 3 : i32
        %add3A_152 = arith.addi %mul3A_89, %add3A_151 : i32
        %add3A_153 = vector.broadcast %add3A_152 : i32 to vector<16xi32>
        %add3A_154 = arith.addi %mul3A_8, %add3A_153 : vector<16xi32>
        %and3A_155 = arith.constant 1023 : i32
        %and3A_156 = vector.broadcast %and3A_155 : i32 to vector<16xi32>
        %and3A_157 = arith.andi %add3A_154, %and3A_156 : vector<16xi32>
        %add3A_158 = arith.addi %mul3A_5, %and3A_157 : vector<16xi32>
        %gather3A_159 = tpu.vector_load_idx %arg6[%add3A_158] : memref<16384xf32, #tpu.memory_space<vmem>>[vector<16xi32>], vector<16xf32>,
        %add3A_160 = arith.addi %mul3A_25, %and3A_157 : vector<16xi32>
        %gather3A_161 = tpu.vector_load_idx %arg8[%add3A_160] : memref<8192xf32, #tpu.memory_space<vmem>>[vector<16xi32>], vector<16xf32>,
        %add3A_162 = arith.constant 1024 : i32
        %add3A_163 = vector.broadcast %add3A_162 : i32 to vector<16xi32>
        %add3A_164 = arith.addi %and3A_157, %add3A_163 : vector<16xi32>
        %add3A_165 = arith.addi %mul3A_25, %add3A_164 : vector<16xi32>
        %gather3A_166 = tpu.vector_load_idx %arg8[%add3A_165] : memref<8192xf32, #tpu.memory_space<vmem>>[vector<16xi32>], vector<16xf32>,
        %add3A_167 = arith.addi %mul3A_5, %and3A_157 : vector<16xi32>
        %sub3A_168 = arith.subf %gather3A_159, %mul3A_41 : vector<16xf32>
        %mul3A_169 = arith.mulf %sub3A_168, %mul3A_75 : vector<16xf32>
        %mul3A_170 = arith.mulf %mul3A_169, %gather3A_161 : vector<16xf32>
        %add3A_171 = arith.addf %mul3A_170, %gather3A_166 : vector<16xf32>
        tpu.vector_store_idx %arg9[%add3A_167], %add3A_171 : memref<16384xf32, #tpu.memory_space<vmem>>[vector<16xi32>], vector<16xf32>,
        %add3A_172 = arith.constant 4 : i32
        %add3A_173 = arith.addi %mul3A_89, %add3A_172 : i32
        %add3A_174 = vector.broadcast %add3A_173 : i32 to vector<16xi32>
        %add3A_175 = arith.addi %mul3A_8, %add3A_174 : vector<16xi32>
        %and3A_176 = arith.constant 1023 : i32
        %and3A_177 = vector.broadcast %and3A_176 : i32 to vector<16xi32>
        %and3A_178 = arith.andi %add3A_175, %and3A_177 : vector<16xi32>
        %add3A_179 = arith.addi %mul3A_5, %and3A_178 : vector<16xi32>
        %gather3A_180 = tpu.vector_load_idx %arg6[%add3A_179] : memref<16384xf32, #tpu.memory_space<vmem>>[vector<16xi32>], vector<16xf32>,
        %add3A_181 = arith.addi %mul3A_25, %and3A_178 : vector<16xi32>
        %gather3A_182 = tpu.vector_load_idx %arg8[%add3A_181] : memref<8192xf32, #tpu.memory_space<vmem>>[vector<16xi32>], vector<16xf32>,
        %add3A_183 = arith.constant 1024 : i32
        %add3A_184 = vector.broadcast %add3A_183 : i32 to vector<16xi32>
        %add3A_185 = arith.addi %and3A_178, %add3A_184 : vector<16xi32>
        %add3A_186 = arith.addi %mul3A_25, %add3A_185 : vector<16xi32>
        %gather3A_187 = tpu.vector_load_idx %arg8[%add3A_186] : memref<8192xf32, #tpu.memory_space<vmem>>[vector<16xi32>], vector<16xf32>,
        %add3A_188 = arith.addi %mul3A_5, %and3A_178 : vector<16xi32>
        %sub3A_189 = arith.subf %gather3A_180, %mul3A_41 : vector<16xf32>
        %mul3A_190 = arith.mulf %sub3A_189, %mul3A_75 : vector<16xf32>
        %mul3A_191 = arith.mulf %mul3A_190, %gather3A_182 : vector<16xf32>
        %add3A_192 = arith.addf %mul3A_191, %gather3A_187 : vector<16xf32>
        tpu.vector_store_idx %arg9[%add3A_188], %add3A_192 : memref<16384xf32, #tpu.memory_space<vmem>>[vector<16xi32>], vector<16xf32>,
        %add3A_193 = arith.constant 5 : i32
        %add3A_194 = arith.addi %mul3A_89, %add3A_193 : i32
        %add3A_195 = vector.broadcast %add3A_194 : i32 to vector<16xi32>
        %add3A_196 = arith.addi %mul3A_8, %add3A_195 : vector<16xi32>
        %and3A_197 = arith.constant 1023 : i32
        %and3A_198 = vector.broadcast %and3A_197 : i32 to vector<16xi32>
        %and3A_199 = arith.andi %add3A_196, %and3A_198 : vector<16xi32>
        %add3A_200 = arith.addi %mul3A_5, %and3A_199 : vector<16xi32>
        %gather3A_201 = tpu.vector_load_idx %arg6[%add3A_200] : memref<16384xf32, #tpu.memory_space<vmem>>[vector<16xi32>], vector<16xf32>,
        %add3A_202 = arith.addi %mul3A_25, %and3A_199 : vector<16xi32>
        %gather3A_203 = tpu.vector_load_idx %arg8[%add3A_202] : memref<8192xf32, #tpu.memory_space<vmem>>[vector<16xi32>], vector<16xf32>,
        %add3A_204 = arith.constant 1024 : i32
        %add3A_205 = vector.broadcast %add3A_204 : i32 to vector<16xi32>
        %add3A_206 = arith.addi %and3A_199, %add3A_205 : vector<16xi32>
        %add3A_207 = arith.addi %mul3A_25, %add3A_206 : vector<16xi32>
        %gather3A_208 = tpu.vector_load_idx %arg8[%add3A_207] : memref<8192xf32, #tpu.memory_space<vmem>>[vector<16xi32>], vector<16xf32>,
        %add3A_209 = arith.addi %mul3A_5, %and3A_199 : vector<16xi32>
        %sub3A_210 = arith.subf %gather3A_201, %mul3A_41 : vector<16xf32>
        %mul3A_211 = arith.mulf %sub3A_210, %mul3A_75 : vector<16xf32>
        %mul3A_212 = arith.mulf %mul3A_211, %gather3A_203 : vector<16xf32>
        %add3A_213 = arith.addf %mul3A_212, %gather3A_208 : vector<16xf32>
        tpu.vector_store_idx %arg9[%add3A_209], %add3A_213 : memref<16384xf32, #tpu.memory_space<vmem>>[vector<16xi32>], vector<16xf32>,
        %add3A_214 = arith.constant 6 : i32
        %add3A_215 = arith.addi %mul3A_89, %add3A_214 : i32
        %add3A_216 = vector.broadcast %add3A_215 : i32 to vector<16xi32>
        %add3A_217 = arith.addi %mul3A_8, %add3A_216 : vector<16xi32>
        %and3A_218 = arith.constant 1023 : i32
        %and3A_219 = vector.broadcast %and3A_218 : i32 to vector<16xi32>
        %and3A_220 = arith.andi %add3A_217, %and3A_219 : vector<16xi32>
        %add3A_221 = arith.addi %mul3A_5, %and3A_220 : vector<16xi32>
        %gather3A_222 = tpu.vector_load_idx %arg6[%add3A_221] : memref<16384xf32, #tpu.memory_space<vmem>>[vector<16xi32>], vector<16xf32>,
        %add3A_223 = arith.addi %mul3A_25, %and3A_220 : vector<16xi32>
        %gather3A_224 = tpu.vector_load_idx %arg8[%add3A_223] : memref<8192xf32, #tpu.memory_space<vmem>>[vector<16xi32>], vector<16xf32>,
        %add3A_225 = arith.constant 1024 : i32
        %add3A_226 = vector.broadcast %add3A_225 : i32 to vector<16xi32>
        %add3A_227 = arith.addi %and3A_220, %add3A_226 : vector<16xi32>
        %add3A_228 = arith.addi %mul3A_25, %add3A_227 : vector<16xi32>
        %gather3A_229 = tpu.vector_load_idx %arg8[%add3A_228] : memref<8192xf32, #tpu.memory_space<vmem>>[vector<16xi32>], vector<16xf32>,
        %add3A_230 = arith.addi %mul3A_5, %and3A_220 : vector<16xi32>
        %sub3A_231 = arith.subf %gather3A_222, %mul3A_41 : vector<16xf32>
        %mul3A_232 = arith.mulf %sub3A_231, %mul3A_75 : vector<16xf32>
        %mul3A_233 = arith.mulf %mul3A_232, %gather3A_224 : vector<16xf32>
        %add3A_234 = arith.addf %mul3A_233, %gather3A_229 : vector<16xf32>
        tpu.vector_store_idx %arg9[%add3A_230], %add3A_234 : memref<16384xf32, #tpu.memory_space<vmem>>[vector<16xi32>], vector<16xf32>,
        %add3A_235 = arith.constant 7 : i32
        %add3A_236 = arith.addi %mul3A_89, %add3A_235 : i32
        %add3A_237 = vector.broadcast %add3A_236 : i32 to vector<16xi32>
        %add3A_238 = arith.addi %mul3A_8, %add3A_237 : vector<16xi32>
        %and3A_239 = arith.constant 1023 : i32
        %and3A_240 = vector.broadcast %and3A_239 : i32 to vector<16xi32>
        %and3A_241 = arith.andi %add3A_238, %and3A_240 : vector<16xi32>
        %add3A_242 = arith.addi %mul3A_5, %and3A_241 : vector<16xi32>
        %gather3A_243 = tpu.vector_load_idx %arg6[%add3A_242] : memref<16384xf32, #tpu.memory_space<vmem>>[vector<16xi32>], vector<16xf32>,
        %add3A_244 = arith.addi %mul3A_25, %and3A_241 : vector<16xi32>
        %gather3A_245 = tpu.vector_load_idx %arg8[%add3A_244] : memref<8192xf32, #tpu.memory_space<vmem>>[vector<16xi32>], vector<16xf32>,
        %add3A_246 = arith.constant 1024 : i32
        %add3A_247 = vector.broadcast %add3A_246 : i32 to vector<16xi32>
        %add3A_248 = arith.addi %and3A_241, %add3A_247 : vector<16xi32>
        %add3A_249 = arith.addi %mul3A_25, %add3A_248 : vector<16xi32>
        %gather3A_250 = tpu.vector_load_idx %arg8[%add3A_249] : memref<8192xf32, #tpu.memory_space<vmem>>[vector<16xi32>], vector<16xf32>,
        %add3A_251 = arith.addi %mul3A_5, %and3A_241 : vector<16xi32>
        %sub3A_252 = arith.subf %gather3A_243, %mul3A_41 : vector<16xf32>
        %mul3A_253 = arith.mulf %sub3A_252, %mul3A_75 : vector<16xf32>
        %mul3A_254 = arith.mulf %mul3A_253, %gather3A_245 : vector<16xf32>
        %add3A_255 = arith.addf %mul3A_254, %gather3A_250 : vector<16xf32>
        tpu.vector_store_idx %arg9[%add3A_251], %add3A_255 : memref<16384xf32, #tpu.memory_space<vmem>>[vector<16xi32>], vector<16xf32>,
        %add3A_256 = arith.constant 8 : i32
        %add3A_257 = arith.addi %mul3A_89, %add3A_256 : i32
        %add3A_258 = vector.broadcast %add3A_257 : i32 to vector<16xi32>
        %add3A_259 = arith.addi %mul3A_8, %add3A_258 : vector<16xi32>
        %and3A_260 = arith.constant 1023 : i32
        %and3A_261 = vector.broadcast %and3A_260 : i32 to vector<16xi32>
        %and3A_262 = arith.andi %add3A_259, %and3A_261 : vector<16xi32>
        %add3A_263 = arith.addi %mul3A_5, %and3A_262 : vector<16xi32>
        %gather3A_264 = tpu.vector_load_idx %arg6[%add3A_263] : memref<16384xf32, #tpu.memory_space<vmem>>[vector<16xi32>], vector<16xf32>,
        %add3A_265 = arith.addi %mul3A_25, %and3A_262 : vector<16xi32>
        %gather3A_266 = tpu.vector_load_idx %arg8[%add3A_265] : memref<8192xf32, #tpu.memory_space<vmem>>[vector<16xi32>], vector<16xf32>,
        %add3A_267 = arith.constant 1024 : i32
        %add3A_268 = vector.broadcast %add3A_267 : i32 to vector<16xi32>
        %add3A_269 = arith.addi %and3A_262, %add3A_268 : vector<16xi32>
        %add3A_270 = arith.addi %mul3A_25, %add3A_269 : vector<16xi32>
        %gather3A_271 = tpu.vector_load_idx %arg8[%add3A_270] : memref<8192xf32, #tpu.memory_space<vmem>>[vector<16xi32>], vector<16xf32>,
        %add3A_272 = arith.addi %mul3A_5, %and3A_262 : vector<16xi32>
        %sub3A_273 = arith.subf %gather3A_264, %mul3A_41 : vector<16xf32>
        %mul3A_274 = arith.mulf %sub3A_273, %mul3A_75 : vector<16xf32>
        %mul3A_275 = arith.mulf %mul3A_274, %gather3A_266 : vector<16xf32>
        %add3A_276 = arith.addf %mul3A_275, %gather3A_271 : vector<16xf32>
        tpu.vector_store_idx %arg9[%add3A_272], %add3A_276 : memref<16384xf32, #tpu.memory_space<vmem>>[vector<16xi32>], vector<16xf32>,
        %add3A_277 = arith.constant 9 : i32
        %add3A_278 = arith.addi %mul3A_89, %add3A_277 : i32
        %add3A_279 = vector.broadcast %add3A_278 : i32 to vector<16xi32>
        %add3A_280 = arith.addi %mul3A_8, %add3A_279 : vector<16xi32>
        %and3A_281 = arith.constant 1023 : i32
        %and3A_282 = vector.broadcast %and3A_281 : i32 to vector<16xi32>
        %and3A_283 = arith.andi %add3A_280, %and3A_282 : vector<16xi32>
        %add3A_284 = arith.addi %mul3A_5, %and3A_283 : vector<16xi32>
        %gather3A_285 = tpu.vector_load_idx %arg6[%add3A_284] : memref<16384xf32, #tpu.memory_space<vmem>>[vector<16xi32>], vector<16xf32>,
        %add3A_286 = arith.addi %mul3A_25, %and3A_283 : vector<16xi32>
        %gather3A_287 = tpu.vector_load_idx %arg8[%add3A_286] : memref<8192xf32, #tpu.memory_space<vmem>>[vector<16xi32>], vector<16xf32>,
        %add3A_288 = arith.constant 1024 : i32
        %add3A_289 = vector.broadcast %add3A_288 : i32 to vector<16xi32>
        %add3A_290 = arith.addi %and3A_283, %add3A_289 : vector<16xi32>
        %add3A_291 = arith.addi %mul3A_25, %add3A_290 : vector<16xi32>
        %gather3A_292 = tpu.vector_load_idx %arg8[%add3A_291] : memref<8192xf32, #tpu.memory_space<vmem>>[vector<16xi32>], vector<16xf32>,
        %add3A_293 = arith.addi %mul3A_5, %and3A_283 : vector<16xi32>
        %sub3A_294 = arith.subf %gather3A_285, %mul3A_41 : vector<16xf32>
        %mul3A_295 = arith.mulf %sub3A_294, %mul3A_75 : vector<16xf32>
        %mul3A_296 = arith.mulf %mul3A_295, %gather3A_287 : vector<16xf32>
        %add3A_297 = arith.addf %mul3A_296, %gather3A_292 : vector<16xf32>
        tpu.vector_store_idx %arg9[%add3A_293], %add3A_297 : memref<16384xf32, #tpu.memory_space<vmem>>[vector<16xi32>], vector<16xf32>,
        %add3A_298 = arith.constant 10 : i32
        %add3A_299 = arith.addi %mul3A_89, %add3A_298 : i32
        %add3A_300 = vector.broadcast %add3A_299 : i32 to vector<16xi32>
        %add3A_301 = arith.addi %mul3A_8, %add3A_300 : vector<16xi32>
        %and3A_302 = arith.constant 1023 : i32
        %and3A_303 = vector.broadcast %and3A_302 : i32 to vector<16xi32>
        %and3A_304 = arith.andi %add3A_301, %and3A_303 : vector<16xi32>
        %add3A_305 = arith.addi %mul3A_5, %and3A_304 : vector<16xi32>
        %gather3A_306 = tpu.vector_load_idx %arg6[%add3A_305] : memref<16384xf32, #tpu.memory_space<vmem>>[vector<16xi32>], vector<16xf32>,
        %add3A_307 = arith.addi %mul3A_25, %and3A_304 : vector<16xi32>
        %gather3A_308 = tpu.vector_load_idx %arg8[%add3A_307] : memref<8192xf32, #tpu.memory_space<vmem>>[vector<16xi32>], vector<16xf32>,
        %add3A_309 = arith.constant 1024 : i32
        %add3A_310 = vector.broadcast %add3A_309 : i32 to vector<16xi32>
        %add3A_311 = arith.addi %and3A_304, %add3A_310 : vector<16xi32>
        %add3A_312 = arith.addi %mul3A_25, %add3A_311 : vector<16xi32>
        %gather3A_313 = tpu.vector_load_idx %arg8[%add3A_312] : memref<8192xf32, #tpu.memory_space<vmem>>[vector<16xi32>], vector<16xf32>,
        %add3A_314 = arith.addi %mul3A_5, %and3A_304 : vector<16xi32>
        %sub3A_315 = arith.subf %gather3A_306, %mul3A_41 : vector<16xf32>
        %mul3A_316 = arith.mulf %sub3A_315, %mul3A_75 : vector<16xf32>
        %mul3A_317 = arith.mulf %mul3A_316, %gather3A_308 : vector<16xf32>
        %add3A_318 = arith.addf %mul3A_317, %gather3A_313 : vector<16xf32>
        tpu.vector_store_idx %arg9[%add3A_314], %add3A_318 : memref<16384xf32, #tpu.memory_space<vmem>>[vector<16xi32>], vector<16xf32>,
        %add3A_319 = arith.constant 11 : i32
        %add3A_320 = arith.addi %mul3A_89, %add3A_319 : i32
        %add3A_321 = vector.broadcast %add3A_320 : i32 to vector<16xi32>
        %add3A_322 = arith.addi %mul3A_8, %add3A_321 : vector<16xi32>
        %and3A_323 = arith.constant 1023 : i32
        %and3A_324 = vector.broadcast %and3A_323 : i32 to vector<16xi32>
        %and3A_325 = arith.andi %add3A_322, %and3A_324 : vector<16xi32>
        %add3A_326 = arith.addi %mul3A_5, %and3A_325 : vector<16xi32>
        %gather3A_327 = tpu.vector_load_idx %arg6[%add3A_326] : memref<16384xf32, #tpu.memory_space<vmem>>[vector<16xi32>], vector<16xf32>,
        %add3A_328 = arith.addi %mul3A_25, %and3A_325 : vector<16xi32>
        %gather3A_329 = tpu.vector_load_idx %arg8[%add3A_328] : memref<8192xf32, #tpu.memory_space<vmem>>[vector<16xi32>], vector<16xf32>,
        %add3A_330 = arith.constant 1024 : i32
        %add3A_331 = vector.broadcast %add3A_330 : i32 to vector<16xi32>
        %add3A_332 = arith.addi %and3A_325, %add3A_331 : vector<16xi32>
        %add3A_333 = arith.addi %mul3A_25, %add3A_332 : vector<16xi32>
        %gather3A_334 = tpu.vector_load_idx %arg8[%add3A_333] : memref<8192xf32, #tpu.memory_space<vmem>>[vector<16xi32>], vector<16xf32>,
        %add3A_335 = arith.addi %mul3A_5, %and3A_325 : vector<16xi32>
        %sub3A_336 = arith.subf %gather3A_327, %mul3A_41 : vector<16xf32>
        %mul3A_337 = arith.mulf %sub3A_336, %mul3A_75 : vector<16xf32>
        %mul3A_338 = arith.mulf %mul3A_337, %gather3A_329 : vector<16xf32>
        %add3A_339 = arith.addf %mul3A_338, %gather3A_334 : vector<16xf32>
        tpu.vector_store_idx %arg9[%add3A_335], %add3A_339 : memref<16384xf32, #tpu.memory_space<vmem>>[vector<16xi32>], vector<16xf32>,
        %add3A_340 = arith.constant 12 : i32
        %add3A_341 = arith.addi %mul3A_89, %add3A_340 : i32
        %add3A_342 = vector.broadcast %add3A_341 : i32 to vector<16xi32>
        %add3A_343 = arith.addi %mul3A_8, %add3A_342 : vector<16xi32>
        %and3A_344 = arith.constant 1023 : i32
        %and3A_345 = vector.broadcast %and3A_344 : i32 to vector<16xi32>
        %and3A_346 = arith.andi %add3A_343, %and3A_345 : vector<16xi32>
        %add3A_347 = arith.addi %mul3A_5, %and3A_346 : vector<16xi32>
        %gather3A_348 = tpu.vector_load_idx %arg6[%add3A_347] : memref<16384xf32, #tpu.memory_space<vmem>>[vector<16xi32>], vector<16xf32>,
        %add3A_349 = arith.addi %mul3A_25, %and3A_346 : vector<16xi32>
        %gather3A_350 = tpu.vector_load_idx %arg8[%add3A_349] : memref<8192xf32, #tpu.memory_space<vmem>>[vector<16xi32>], vector<16xf32>,
        %add3A_351 = arith.constant 1024 : i32
        %add3A_352 = vector.broadcast %add3A_351 : i32 to vector<16xi32>
        %add3A_353 = arith.addi %and3A_346, %add3A_352 : vector<16xi32>
        %add3A_354 = arith.addi %mul3A_25, %add3A_353 : vector<16xi32>
        %gather3A_355 = tpu.vector_load_idx %arg8[%add3A_354] : memref<8192xf32, #tpu.memory_space<vmem>>[vector<16xi32>], vector<16xf32>,
        %add3A_356 = arith.addi %mul3A_5, %and3A_346 : vector<16xi32>
        %sub3A_357 = arith.subf %gather3A_348, %mul3A_41 : vector<16xf32>
        %mul3A_358 = arith.mulf %sub3A_357, %mul3A_75 : vector<16xf32>
        %mul3A_359 = arith.mulf %mul3A_358, %gather3A_350 : vector<16xf32>
        %add3A_360 = arith.addf %mul3A_359, %gather3A_355 : vector<16xf32>
        tpu.vector_store_idx %arg9[%add3A_356], %add3A_360 : memref<16384xf32, #tpu.memory_space<vmem>>[vector<16xi32>], vector<16xf32>,
        %add3A_361 = arith.constant 13 : i32
        %add3A_362 = arith.addi %mul3A_89, %add3A_361 : i32
        %add3A_363 = vector.broadcast %add3A_362 : i32 to vector<16xi32>
        %add3A_364 = arith.addi %mul3A_8, %add3A_363 : vector<16xi32>
        %and3A_365 = arith.constant 1023 : i32
        %and3A_366 = vector.broadcast %and3A_365 : i32 to vector<16xi32>
        %and3A_367 = arith.andi %add3A_364, %and3A_366 : vector<16xi32>
        %add3A_368 = arith.addi %mul3A_5, %and3A_367 : vector<16xi32>
        %gather3A_369 = tpu.vector_load_idx %arg6[%add3A_368] : memref<16384xf32, #tpu.memory_space<vmem>>[vector<16xi32>], vector<16xf32>,
        %add3A_370 = arith.addi %mul3A_25, %and3A_367 : vector<16xi32>
        %gather3A_371 = tpu.vector_load_idx %arg8[%add3A_370] : memref<8192xf32, #tpu.memory_space<vmem>>[vector<16xi32>], vector<16xf32>,
        %add3A_372 = arith.constant 1024 : i32
        %add3A_373 = vector.broadcast %add3A_372 : i32 to vector<16xi32>
        %add3A_374 = arith.addi %and3A_367, %add3A_373 : vector<16xi32>
        %add3A_375 = arith.addi %mul3A_25, %add3A_374 : vector<16xi32>
        %gather3A_376 = tpu.vector_load_idx %arg8[%add3A_375] : memref<8192xf32, #tpu.memory_space<vmem>>[vector<16xi32>], vector<16xf32>,
        %add3A_377 = arith.addi %mul3A_5, %and3A_367 : vector<16xi32>
        %sub3A_378 = arith.subf %gather3A_369, %mul3A_41 : vector<16xf32>
        %mul3A_379 = arith.mulf %sub3A_378, %mul3A_75 : vector<16xf32>
        %mul3A_380 = arith.mulf %mul3A_379, %gather3A_371 : vector<16xf32>
        %add3A_381 = arith.addf %mul3A_380, %gather3A_376 : vector<16xf32>
        tpu.vector_store_idx %arg9[%add3A_377], %add3A_381 : memref<16384xf32, #tpu.memory_space<vmem>>[vector<16xi32>], vector<16xf32>,
        %add3A_382 = arith.constant 14 : i32
        %add3A_383 = arith.addi %mul3A_89, %add3A_382 : i32
        %add3A_384 = vector.broadcast %add3A_383 : i32 to vector<16xi32>
        %add3A_385 = arith.addi %mul3A_8, %add3A_384 : vector<16xi32>
        %and3A_386 = arith.constant 1023 : i32
        %and3A_387 = vector.broadcast %and3A_386 : i32 to vector<16xi32>
        %and3A_388 = arith.andi %add3A_385, %and3A_387 : vector<16xi32>
        %add3A_389 = arith.addi %mul3A_5, %and3A_388 : vector<16xi32>
        %gather3A_390 = tpu.vector_load_idx %arg6[%add3A_389] : memref<16384xf32, #tpu.memory_space<vmem>>[vector<16xi32>], vector<16xf32>,
        %add3A_391 = arith.addi %mul3A_25, %and3A_388 : vector<16xi32>
        %gather3A_392 = tpu.vector_load_idx %arg8[%add3A_391] : memref<8192xf32, #tpu.memory_space<vmem>>[vector<16xi32>], vector<16xf32>,
        %add3A_393 = arith.constant 1024 : i32
        %add3A_394 = vector.broadcast %add3A_393 : i32 to vector<16xi32>
        %add3A_395 = arith.addi %and3A_388, %add3A_394 : vector<16xi32>
        %add3A_396 = arith.addi %mul3A_25, %add3A_395 : vector<16xi32>
        %gather3A_397 = tpu.vector_load_idx %arg8[%add3A_396] : memref<8192xf32, #tpu.memory_space<vmem>>[vector<16xi32>], vector<16xf32>,
        %add3A_398 = arith.addi %mul3A_5, %and3A_388 : vector<16xi32>
        %sub3A_399 = arith.subf %gather3A_390, %mul3A_41 : vector<16xf32>
        %mul3A_400 = arith.mulf %sub3A_399, %mul3A_75 : vector<16xf32>
        %mul3A_401 = arith.mulf %mul3A_400, %gather3A_392 : vector<16xf32>
        %add3A_402 = arith.addf %mul3A_401, %gather3A_397 : vector<16xf32>
        tpu.vector_store_idx %arg9[%add3A_398], %add3A_402 : memref<16384xf32, #tpu.memory_space<vmem>>[vector<16xi32>], vector<16xf32>,
        %add3A_403 = arith.constant 15 : i32
        %add3A_404 = arith.addi %mul3A_89, %add3A_403 : i32
        %add3A_405 = vector.broadcast %add3A_404 : i32 to vector<16xi32>
        %add3A_406 = arith.addi %mul3A_8, %add3A_405 : vector<16xi32>
        %and3A_407 = arith.constant 1023 : i32
        %and3A_408 = vector.broadcast %and3A_407 : i32 to vector<16xi32>
        %and3A_409 = arith.andi %add3A_406, %and3A_408 : vector<16xi32>
        %add3A_410 = arith.addi %mul3A_5, %and3A_409 : vector<16xi32>
        %gather3A_411 = tpu.vector_load_idx %arg6[%add3A_410] : memref<16384xf32, #tpu.memory_space<vmem>>[vector<16xi32>], vector<16xf32>,
        %add3A_412 = arith.addi %mul3A_25, %and3A_409 : vector<16xi32>
        %gather3A_413 = tpu.vector_load_idx %arg8[%add3A_412] : memref<8192xf32, #tpu.memory_space<vmem>>[vector<16xi32>], vector<16xf32>,
        %add3A_414 = arith.constant 1024 : i32
        %add3A_415 = vector.broadcast %add3A_414 : i32 to vector<16xi32>
        %add3A_416 = arith.addi %and3A_409, %add3A_415 : vector<16xi32>
        %add3A_417 = arith.addi %mul3A_25, %add3A_416 : vector<16xi32>
        %gather3A_418 = tpu.vector_load_idx %arg8[%add3A_417] : memref<8192xf32, #tpu.memory_space<vmem>>[vector<16xi32>], vector<16xf32>,
        %add3A_419 = arith.addi %mul3A_5, %and3A_409 : vector<16xi32>
        %sub3A_420 = arith.subf %gather3A_411, %mul3A_41 : vector<16xf32>
        %mul3A_421 = arith.mulf %sub3A_420, %mul3A_75 : vector<16xf32>
        %mul3A_422 = arith.mulf %mul3A_421, %gather3A_413 : vector<16xf32>
        %add3A_423 = arith.addf %mul3A_422, %gather3A_418 : vector<16xf32>
        tpu.vector_store_idx %arg9[%add3A_419], %add3A_423 : memref<16384xf32, #tpu.memory_space<vmem>>[vector<16xi32>], vector<16xf32>,
        %scan3A_424 = arith.constant 0 : i32
        scf.yield %scan3A_424 : i32
      }
      %scan3A_82 = arith.constant 64 : i32
      %mul3A_83 = arith.constant 1024 : i32
      %mul3A_84 = arith.muli %add3A_19, %mul3A_83 : i32
      "tpu.region"() ({
        %run_scoped3A = tpu.sem_alloc : memref<!tpu.dma_semaphore, #tpu.memory_space<semaphore_mem>>
        %dma_start3A = tpu.memref_slice %arg5[%mul3A_84] : memref<8388608xf32, #tpu.memory_space<hbm>> -> memref<16384xf32, #tpu.memory_space<hbm>>
        %dma_start3A_86 = tpu.memref_slice %arg5[%mul3A_84] : memref<8388608xf32, #tpu.memory_space<hbm>> -> memref<16384xf32, #tpu.memory_space<hbm>>
        tpu.enqueue_dma source(%arg9 : memref<16384xf32, #tpu.memory_space<vmem>>) target(%dma_start3A_86 : memref<16384xf32, #tpu.memory_space<hbm>>) target_semaphore(%run_scoped3A : memref<!tpu.dma_semaphore, #tpu.memory_space<semaphore_mem>>)
        %dma_wait3A = tpu.memref_slice %arg5[%mul3A_84] : memref<8388608xf32, #tpu.memory_space<hbm>> -> memref<16384xf32, #tpu.memory_space<hbm>>
        %dma_wait3A_87 = tpu.memref_slice %arg5[%mul3A_84] : memref<8388608xf32, #tpu.memory_space<hbm>> -> memref<16384xf32, #tpu.memory_space<hbm>>
        tpu.wait_dma2 semaphore(%run_scoped3A : memref<!tpu.dma_semaphore, #tpu.memory_space<semaphore_mem>>) src(%arg9 : memref<16384xf32, #tpu.memory_space<vmem>>) dst(%dma_wait3A_87 : memref<16384xf32, #tpu.memory_space<hbm>>)
        tpu.yield
      }) : () -> ()
      %scan3A_85 = arith.constant 0 : i32
      scf.yield %scan3A_85 : i32
    }
    %scan3A_14 = arith.constant 16 : i32
    return
  }
}

</mosaic_0001>

<sc_bundles>
// kernel: kernel.3.cloned.1.call-start
scs
__scs_entry_jumppad:
0x0: {  	(pc) =	sbr.rel $0x88, $3  }
0x1: {  	(tag) =	ssettag $0x0;
	lr =	simm.s32 $0x1  }
0x2: {  	[smem:$0x3F9D] =	sst lr;
	_ =	strace $0xD0000000  }
0x3: {  	_ = 	snop  }
0x4: {  	_ = 	snop  }
0x5: {  	_ = 	snop  }
0x6: {  	_ = 	snop  }
0x7: {  	_ = 	snop  }
__scs_overlays_trampoline_lowered:
0x8: {  	[smem:$0x3FAC] =	sst s0  }
0x9: {  	[smem:$0x3FAD] =	sst s1  }
0xa: {  	[smem:$0x3FAE] =	sst s2  }
0xb: {  	[smem:$0x3FAF] =	sst s3  }
0xc: {  	[smem:$0x3FB0] =	sst s4  }
0xd: {  	[smem:$0x3FB1] =	sst s5  }
0xe: {  	[smem:$0x3FB2] =	sst s6  }
0xf: {  	[smem:$0x3FB3] =	sst s7  }
0x10: {  	[smem:$0x3FB4] =	sst s8  }
0x11: {  	[smem:$0x3FB5] =	sst s9;
	s0 =	simm.s32 @!p0 $0x0  }
0x12: {  	s1 =	sld [smem:$0x3F9B];
	s0 =	simm.s32 @p0 $0x1  }
0x13: {  	[smem:$0x3FB6] =	sst s0;
	s0 =	simm.s32 @!p1 $0x0  }
0x14: {  	s2 =	sld [smem:$0x3F9A];
	s0 =	simm.s32 @p1 $0x1  }
0x15: {  	[smem:$0x3FB7] =	sst s0;
	s0 =	simm.s32 @!p2 $0x0  }
0x16: {  	s3 =	sld [smem:$0x3FDB];
	s0 =	simm.s32 @p2 $0x1  }
0x17: {  	s4 =	simm.s32 $0x1BF5;
	[smem:$0x3FB9] =	sst s0  }
0x18: {  	s0 =	sld [smem:$0x3F9C];
	_ =	swait.ge [sflag:s4], $0x0  }
0x19: {  	s7 =	sld [smem:$0x3F9D]  }
0x1a: {  	s8 =	sadd.s32 $0xFFFFE003, lr  }
0x1b: {  	s9 =	sadd.s32 $0xFFFFFEF7, lr;
	s5 =	simm.s32 $0xFFFFFFFF;
	p2 =	slt.u32 s8, $0xFFFFF086  }
0x1c: {  	p1 =	slt.u32 s9, $0xF7A;
	s5 =	simm.s32 @!p2 $0x0  }
0x1d: {  	s5 =	simm.s32 @p1 $0x1;
	p0 =	seq.s32 s7, s2  }
0x1e: {  	s7 =	smul.u32 @!p0 $0xF7A, s2;
	p2 =	seq.s32 @!p0 s5, $0x0  }
0x1f: {  	s9 =	smul.u32 $0xF7A, s1;
	s8 =	simm.s32 @!p0 $0x1BF5;
	p2 =	por !p2, p0  }
0x20: {  	[sflag:s8] =	ssyncset.s32 @!p0 $0xFFFFF086;
	s6 =	sadd.s32 @!p0 s3, s7;
	s7 =	simm.s32 @!p0 $0x108  }
0x21: {  	s3 =	sadd.s32 s3, s9;
	s6 =	sadd.s32 @!p0 $0x88, s6;
	s7 =	simm.s32 @p2 $0x1082  }
0x22: {  	[simem:s7], [sflag:s8] =	dma.local @!p0 [hbm:s6], $0xF7A  }
0x23: {  	s9 =	sor.u32 $0xD0000000, s2;
	s6 =	simm.s32 $0x108;
	_ =	swait.ge @!p0 [sflag:s8], $0x0  }
0x24: {  	s3 =	sadd.s32 $0x88, s3;
	s6 =	simm.s32 @!p1 $0x1082;
	[sflag:s4] =	ssyncset.s32 $0xFFFFF086  }
0x25: {  	[simem:s6], [sflag:s4] =	dma.local [hbm:s3], $0xF7A  }
0x26: {  	[smem:$0x3F9D] =	sst s1;
	(tag) =	ssettag s2;
	_ =	strace s9  }
0x27: {  	s1 =	sld [smem:$0x3FAD]  }
0x28: {  	s2 =	sld [smem:$0x3FAE]  }
0x29: {  	s4 =	sld [smem:$0x3FB0]  }
0x2a: {  	p0 =	seq.s32 s5, $0x0;
	s5 =	sld [smem:$0x3FB1]  }
0x2b: {  	s6 =	sld [smem:$0x3FB2]  }
0x2c: {  	s7 =	sld [smem:$0x3FB3]  }
0x2d: {  	s3 =	simm.s32 $0x108;
	s8 =	sld [smem:$0x3FB4]  }
0x2e: {  	s3 =	simm.s32 @!p0 $0x1082;
	s9 =	sld [smem:$0x3FB5]  }
0x2f: {  	lr =	sadd.s32 s0, s3;
	s0 =	sld [smem:$0x3FAC]  }
0x30: {  	s3 =	sld [smem:$0x3FAF]  }
0x31: {  	[smem:$0x3FB8] =	sst s10  }
0x32: {  	s10 =	sld [smem:$0x3FB6];
	_ =	sdelay $0x3  }
0x33: {  	p0 =	seq.s32 s10, $0x1;
	s10 =	sld [smem:$0x3FB8];
	_ =	sdelay $0x3  }
0x34: {  	[smem:$0x3FB8] =	sst s10  }
0x35: {  	s10 =	sld [smem:$0x3FB7];
	_ =	sdelay $0x3  }
0x36: {  	p1 =	seq.s32 s10, $0x1;
	s10 =	sld [smem:$0x3FB8];
	_ =	sdelay $0x3  }
0x37: {  	[smem:$0x3FB8] =	sst s10  }
0x38: {  	s10 =	sld [smem:$0x3FB9]  }
0x39: {  	_ = 	snop;
	(pc) =	sbr.ind lr, $3  }
0x3a: {  	_ = 	snop  }
0x3b: {  	_ = 	snop  }
0x3c: {  	p2 =	seq.s32 s10, $0x1;
	s10 =	sld [smem:$0x3FB8]  }
0x3d: {  	_ =	shalt  }
0x3e: {  	_ =	shalt  }
0x3f: {  	_ =	shalt  }
0x40: {  	_ =	shalt  }
0x41: {  	_ =	shalt  }
0x42: {  	_ =	shalt  }
0x43: {  	_ =	shalt  }
0x44: {  	_ =	shalt  }
0x45: {  	_ =	shalt  }
0x46: {  	_ =	shalt  }
0x47: {  	_ =	shalt  }
0x48: {  	_ =	shalt  }
0x49: {  	_ =	shalt  }
0x4a: {  	_ =	shalt  }
0x4b: {  	_ =	shalt  }
0x4c: {  	_ =	shalt  }
0x4d: {  	_ =	shalt  }
0x4e: {  	_ =	shalt  }
0x4f: {  	_ =	shalt  }
0x50: {  	_ =	shalt  }
0x51: {  	_ =	shalt  }
0x52: {  	_ =	shalt  }
0x53: {  	_ =	shalt  }
0x54: {  	_ =	shalt  }
0x55: {  	_ =	shalt  }
0x56: {  	_ =	shalt  }
0x57: {  	_ =	shalt  }
0x58: {  	_ =	shalt  }
0x59: {  	_ =	shalt  }
0x5a: {  	_ =	shalt  }
0x5b: {  	_ =	shalt  }
0x5c: {  	_ =	shalt  }
0x5d: {  	_ =	shalt  }
0x5e: {  	_ =	shalt  }
0x5f: {  	_ =	shalt  }
0x60: {  	_ =	shalt  }
0x61: {  	_ =	shalt  }
0x62: {  	_ =	shalt  }
0x63: {  	_ =	shalt  }
0x64: {  	_ =	shalt  }
0x65: {  	_ =	shalt  }
0x66: {  	_ =	shalt  }
0x67: {  	_ =	shalt  }
0x68: {  	_ =	shalt  }
0x69: {  	_ =	shalt  }
0x6a: {  	_ =	shalt  }
0x6b: {  	_ =	shalt  }
0x6c: {  	_ =	shalt  }
0x6d: {  	_ =	shalt  }
0x6e: {  	_ =	shalt  }
0x6f: {  	_ =	shalt  }
0x70: {  	_ =	shalt  }
0x71: {  	_ =	shalt  }
0x72: {  	_ =	shalt  }
0x73: {  	_ =	shalt  }
0x74: {  	_ =	shalt  }
0x75: {  	_ =	shalt  }
0x76: {  	_ =	shalt  }
0x77: {  	_ =	shalt  }
0x78: {  	_ =	shalt  }
0x79: {  	_ =	shalt  }
0x7a: {  	_ =	shalt  }
0x7b: {  	_ =	shalt  }
0x7c: {  	_ =	shalt  }
0x7d: {  	_ =	shalt  }
0x7e: {  	_ =	shalt  }
0x7f: {  	_ =	shalt  }
0x80: {  	_ =	shalt  }
0x81: {  	_ =	shalt  }
0x82: {  	_ =	shalt  }
0x83: {  	_ =	shalt  }
0x84: {  	_ =	shalt  }
0x85: {  	_ =	shalt  }
0x86: {  	_ =	shalt  }
0x87: {  	_ =	shalt  }
.Lfunc_end0:
.L_simem_size_0:
called_computation.1_lowered:
.L_overlay_start_0:
0x88: {  	s2 =	sld [smem:$0x3FD9]  }
0x89: {  	s3 =	sld [smem:$0x3FFE];
	_ =	sdelay $0x1  }
0x8a: {  	s1 =	srdreg.scid  }
0x8b: {  	s0 =	sand.u32 $0x1, s1  }
0x8c: {  	s17 =	sshll.u32 s0, $0xA;
	s2 =	sadd.s32 s3, s2  }
0x8d: {  	s2 =	sadd.s32 s2, s17  }
0x8e: {  	[smem:$0x3FC4] =	sst s2  }
0x8f: {  	_ = 	snop  }
0x90: {  	s2 =	sld [smem:$0x3FD0];
	(tm) =	ssettm $0x1  }
0x91: {  	s18 =	sld [smem:$0x3FFB];
	_ =	sdelay $0x3  }
0x92: {  	_ =	strace s18  }
0x93: {  	s3 =	sld [smem:$0x3FFC];
	_ =	sdelay $0x3  }
0x94: {  	_ =	strace s3  }
0x95: {  	s3 =	sld [smem:$0x3FFD];
	_ =	sdelay $0x3  }
0x96: {  	_ =	strace s3  }
0x97: {  	_ =	strace $0x8FFFFFFF  }
0x98: {  	s19 =	sld [smem:$0x3FDB];
	_ =	sdelay $0x1  }
0x99: {  	s4 =	simm.s32 $_scs_section_size  }
0x9a: {  	s5 =	simm.s32 $_size__tile_overlayer_lowered;
	s6 =	simm.s32 $_tile_overlayer_lowered  }
0x9b: {  	s22 =	simm.s32 $0x1BFF;
	s21 =	sshll.u32 s6, $0x1;
	s3 =	sadd.s32 s4, s19  }
0x9c: {  	s7 =	simm.s32 $0x0;
	s20 =	sshll.u32 s5, $0x1;
	s5 =	sadd.s32 s21, s3  }
0x9d: {  	[timem:s7], [sflag:s22] =	dma.local [hbm:s5], s20  }
0x9e: {  	_ =	swait.ge [sflag:s22], s20  }
0x9f: {  	s4 =	ssub.s32 $0x0, s20;
	[sflag:s22] =	ssyncset.done $0x0  }
0xa0: {  	[sflag:s22] =	ssyncadd.s32 s4;
	_ =	sdelay $0x1  }
0xa1: {  	s23 =	simm.s32 $0x1B8B  }
0xa2: {  	_ =	swait.ge [sflag:s23], $0x1  }
0xa3: {  	[sflag:s23] =	ssyncset.done $0x0  }
0xa4: {  	s25 =	simm.s32 $0x1B8E;
	s24 =	sld [smem:$0x3FFE];
	[sflag:s23] =	ssyncadd.s32 $0xFFFFFFFF  }
0xa5: {  	s26 =	simm.s32 $execute0_lowered;
	[smem:$0x3FD2] =	sst s25  }
0xa6: {  	s5 =	sshll.u32 s26, $0x1;
	_ =	strace $0x80000049;
	[dreg:$0x1] =	wrdreg $0xFFFFFFFF  }
0xa7: {  	s28 =	simm.s32 $_size_execute0_lowered;
	s3 =	sadd.s32 s3, s5;
	[dreg:$0x0] =	wrdreg $0x0  }
0xa8: {  	s5 =	sshll.u32 s28, $0x1;
	[dreg:$0x2] =	wrdreg s3  }
0xa9: {  	[dreg:$0x3] =	wrdreg s5  }
0xaa: {  	[dreg:$0x4] =	wrdreg $0xC0  }
0xab: {  	_ =	task [dreg:s7], $0x5FFFF  }
0xac: {  	[dreg:$0x1] =	wrdreg $0xFFFFFFFF  }
0xad: {  	[dreg:$0x0] =	wrdreg $0x60  }
0xae: {  	[dreg:$0x2] =	wrdreg s2  }
0xaf: {  	[dreg:$0x3] =	wrdreg s24  }
0xb0: {  	[dreg:$0x4] =	wrdreg $0x9  }
0xb1: {  	_ =	task.clear_ibuf [dreg:s7], $0x5FFFF;
	_ =	strace $0x90000049  }
0xb2: {  	s29 =	simm.s32 $0x9;
	_ =	strace $0x8000004B  }
0xb3: {  	_ =	swait.ge [sflag:s29], $0x1  }
0xb4: {  	[sflag:s29] =	ssyncadd.s32 $0xFFFFFFFF  }
0xb5: {  	_ =	strace $0x9000004B  }
0xb6: {  	_ =	sfence  }
0xb7: {  	s30 =	sld [smem:$0x0];
	_ =	sdelay $0x2  }
0xb8: {  	s31 =	sshll.u32 s1, $0xD;
	s1 =	sshrl.u32 s1, $0x2  }
0xb9: {  	s3 =	sand.u32 $0x4000, s31;
	s1 =	sadd.s32 s1, s30  }
0xba: {  	s0 =	sor.u32 s3, s0;
	s1 =	sshll.u32 s1, $0x11  }
0xbb: {  	s0 =	sor.u32 s1, s0  }
0xbc: {  	s0 =	sadd.s32 $0x8F2B, s0  }
0xbd: {  	[sflag:s0] =	ssyncadd.remote.s32 $0x1  }
0xbe: {  	_ =	sfence.sel $0xFFFF  }
0xbf: {  	[dreg:$0x0] =	wrdreg $0xFFFFFFFF;
	(pc) =	sbr.abs _section_cstart, $3  }
0xc0: {  	[dreg:$0x1] =	wrdreg $0xFFFFFFFF  }
0xc1: {  	_ =	task.clear_ibuf [dreg:s7], $0x2FFFF;
	_ =	strace $0x9FFFFFFF  }
0xc2: {  	(tm) =	ssettm $0x7FFFFFFF  }
0xc3: {  	_ =	shalt  }
tec
execute0_lowered:
.L_overlay_start_1:
0x0: {  	(tag) =	ssettag $0x1  }
0x1: {  	v0 =	vimm.s32 $0x3C07;
	vm0 =	vcmask $0x300  }
0x2: {  	vm14 =	vcmask $0x704;
	v0 =	vsel vm0, $0x0, v0  }
0x3: {  	vm15 =	vcmask $0xB08;
	v0 =	vsel vm14, $0x401, v0  }
0x4: {  	vm4 =	vcmask $0xF0C;
	v0 =	vsel vm15, $0x802, v0  }
0x5: {  	vm5 =	vcmask $0x1310;
	v0 =	vsel vm4, $0xC03, v0  }
0x6: {  	vm6 =	vcmask $0x1714;
	v0 =	vsel vm5, $0x1004, v0  }
0x7: {  	s1 =	rddreg [dreg:$0x0];
	vm7 =	vcmask $0x1B18;
	v0 =	vsel vm6, $0x1405, v0  }
0x8: {  	s6 =	rddreg [dreg:$0x1];
	vm8 =	vcmask $0x1F1C;
	v0 =	vsel vm7, $0x1806, v0  }
0x9: {  	s0 =	rddreg [dreg:$0x2];
	vm9 =	vcmask $0x2320;
	v0 =	vsel vm8, $0x1C07, v0  }
0xa: {  	s2 =	simm.s32 $0x0;
	s4 =	srdreg.scid;
	vm10 =	vcmask $0x2724;
	s11 =	simm.s32 $0x4000;
	v0 =	vsel vm9, $0x2000, v0  }
0xb: {  	vm11 =	vcmask $0x2B28;
	s12 =	simm.s32 $0x6010;
	s13 =	simm.s32 $0x0;
	[smem:$0x7FF] =	sst s2;
	v0 =	vsel vm10, $0x2401, v0  }
0xc: {  	vm12 =	vcmask $0x2F2C;
	v3 =	vlaneseq.u32;
	s3 =	sadd.s32 $0xE00, s6;
	s7 =	sand.u32 $0x1, s4;
	s5 =	sadd.s32 $0x1200, s6;
	v0 =	vsel vm11, $0x2802, v0  }
0xd: {  	vm13 =	vcmask $0x3330;
	s4 =	stileid.u32;
	s6 =	sadd.s32 $0x1600, s6;
	s8 =	ssub.s32 $0x2, s7;
	vm14 =	vcmask $0x3734;
	v1 =	vsel vm12, $0x2C03, v0  }
0xe: {  	s10 =	sshll.u32 s4, $0x9;
	s7 =	sshll.u32 s7, $0x8;
	s9 =	sshrl.u32 s8, $0x1;
	vm15 =	vcmask $0x3B38;
	v0 =	vmul.u32 $0x41, v3;
	v1 =	vsel vm13, $0x3004, v1  }
0xf: {  	_ =	strace $0x8000004A;
	s7 =	sor.u32 s7, s10;
	s8 =	ssub.s32 s8, s9;
	v2 =	vsel vm14, $0x3405, v1;
	v1 =	vand.u32 $0x7, v3;
	v3 =	vmul.u32 $0x400, v3  }
0x10: {  	s10 =	simm.s32 $0x1;
	s9 =	simm.s32 $0x4010;
	s8 =	smax.u32 s8, $0x1;
	v2 =	vsel vm15, $0x3806, v2;
	v4 =	vor.u32 $0x400, v1  }
.LBB2_1:
0x11: {  	[tilespmem:s9], [sflag:$0x1] =	stream.linear.gather [hbm4b:s5+s2], $0x2000, $0x38;
	[tilespmem:$0xA010] =	vst v63  }
0x12: {  	_ =	swait.ge [sflag:s10], $0x2000  }
0x13: {  	[sflag:s10] =	ssyncset.done $0x0  }
0x14: {  	s14 =	simm.s32 $0x0;
	[sflag:s10] =	ssyncadd.s32 $0xFFFFE000  }
.LBB2_2:
0x15: {  	s15 =	sshll.u32 s14, $0x4;
	s16 =	simm.s32 $0xF;
	s19 =	simm.s32 $0x3  }
0x16: {  	v7 =	vimm.f32 $0.0e+00;
	s20 =	simm.s32 $0x7;
	s21 =	simm.s32 $0xB;
	s17 =	sadd.s32 s7, s15  }
0x17: {  	s22 =	simm.s32 $0x0;
	s25 =	simm.s32 $0x5;
	v14 =	vimm.f32 $0.0e+00;
	v12 =	vimm.f32 $0.0e+00;
	v13 =	vimm.f32 $0.0e+00;
	s15 =	sshll.u32 s17, $0x7  }
0x18: {  	s28 =	simm.s32 $0x9;
	s31 =	simm.s32 $0x2;
	v5 =	vadd.s32 s16, v0;
	v15 =	vadd.s32 s19, v0;
	v6 =	vadd.s32 s20, v0;
	s18 =	sadd.s32 s1, s15  }
0x19: {  	v8 =	vadd.s32 s21, v0;
	v9 =	vadd.s32 s22, v0;
	v10 =	vadd.s32 s25, v0;
	[tilespmem:s2], [sflag:$0x1] =	stream.linear.gather [hbm4b:s18+s2], $0x4000, $0x38;
	[tilespmem:$0xA010] =	vst v63  }
0x1a: {  	s23 =	simm.s32 $0x1;
	v11 =	vadd.s32 s28, v0;
	v26 =	vadd.s32 s31, v0;
	v5 =	vand.u32 $0x3FF, v5;
	_ =	swait.ge [sflag:s10], $0x4000  }
0x1b: {  	s24 =	simm.s32 $0x4;
	v16 =	vand.u32 $0x3FF, v8;
	v8 =	vand.u32 $0x3F8, v9;
	v9 =	vadd.s32 s23, v0;
	s17 =	sshrl.u32 s17, $0x3;
	[sflag:s10] =	ssyncset.done $0x0  }
0x1c: {  	s26 =	simm.s32 $0x8;
	v17 =	vand.u32 $0x3FF, v6;
	v6 =	vadd.s32 s24, v0;
	v9 =	vand.u32 $0x3FF, v9;
	s17 =	sadd.s32 s3, s17;
	[sflag:s10] =	ssyncadd.s32 $0xFFFFC000  }
0x1d: {  	v8 =	vor.u32 v2, v8;
	v6 =	vand.u32 $0x3FF, v6;
	v9 =	vor.u32 v3, v9;
	[tilespmem:s11], [sflag:$0x1] =	stream.linear.gather [hbm4b:s17+s2], $0x10, $0x38;
	[tilespmem:$0xA010] =	vst v63  }
0x1e: {  	v20 =	vor.u32 v3, v6;
	v6 =	vand.u32 $0x3FF, v10;
	v10 =	vadd.s32 s26, v0;
	_ =	swait.ge [sflag:s10], $0x10  }
0x1f: {  	s29 =	simm.s32 $0xC;
	v5 =	vor.u32 v3, v5;
	v23 =	vor.u32 v3, v6;
	v6 =	vand.u32 $0x3F8, v10;
	[sflag:s10] =	ssyncset.done $0x0  }
0x20: {  	s30 =	simm.s32 $0xD;
	v10 =	vand.u32 $0x3FF, v11;
	v21 =	vor.u32 v2, v6;
	v6 =	vadd.s32 s29, v0;
	[sflag:s10] =	ssyncadd.s32 $0xFFFFFFF0  }
0x21: {  	v11 =	vadd.s32 s30, v0;
	v22 =	vor.u32 v3, v10;
	v10 =	vand.u32 $0x3FF, v6;
	v6 =	vld [tilespmem:$0x4000]  }
0x22: {  	v25 =	vand.u32 $0x3FF, v11;
	v11 =	vimm.f32 $0.0e+00;
	v24 =	vor.u32 v3, v10;
	v18 =	vld.idx.msk [tilespmem:v8+s2+$0x0], $0xffff  }
0x23: {  	s17 =	simm.s32 $0x1F;
	v10 =	vimm.f32 $0.0e+00;
	v8 =	vimm.f32 $0.0e+00;
	v19 =	vld.idx.msk [tilespmem:v9+s2+$0x0], $0xffff;
	v9 =	vimm.f32 $0.0e+00  }
.LBB2_3:
0x24: {  	p0 =	sne.s32 s17, $0x3FF;
	v26 =	vand.u32 $0x3FF, v26;
	v15 =	vand.u32 $0x3FF, v15;
	v20 =	vld.idx.msk [tilespmem:v20+s2+$0x0], $0xffff;
	s18 =	sadd.s32 $0xFFFFFFF7, s16;
	v25 =	vor.u32 v3, v25  }
0x25: {  	v16 =	vor.u32 v3, v16;
	v26 =	vor.u32 v3, v26;
	v23 =	vld.idx.msk [tilespmem:v23+s2+$0x0], $0xffff;
	v27 =	vadd.s32 s18, v0  }
0x26: {  	v17 =	vor.u32 v3, v17;
	s19 =	sadd.s32 $0xFFFFFFFF, s16;
	v15 =	vor.u32 v3, v15;
	s18 =	sadd.s32 $0xFFFFFFFB, s16;
	s16 =	smov.u32 s17;
	v27 =	vand.u32 $0x3FF, v27;
	v21 =	vld.idx.msk [tilespmem:v21+s2+$0x0], $0xffff  }
0x27: {  	v29 =	vadd.s32 s19, v0;
	v28 =	vadd.s32 s18, v0;
	v27 =	vor.u32 v3, v27;
	v22 =	vld.idx.msk [tilespmem:v22+s2+$0x0], $0xffff  }
0x28: {  	v29 =	vand.u32 $0x3FF, v29;
	v30 =	vmul.f32 v18, v18;
	v28 =	vand.u32 $0x3FF, v28;
	v24 =	vld.idx.msk [tilespmem:v24+s2+$0x0], $0xffff  }
0x29: {  	v29 =	vor.u32 v3, v29;
	v31 =	vmul.f32 v19, v19;
	v28 =	vor.u32 v3, v28;
	v25 =	vld.idx.msk [tilespmem:v25+s2+$0x0], $0xffff  }
0x2a: {  	v7 =	vadd.f32 v18, v7;
	v14 =	vadd.f32 v30, v14;
	v18 =	vld.idx.msk [tilespmem:v26+s2+$0x0], $0xffff;
	v26 =	vmul.f32 v20, v20  }
0x2b: {  	v12 =	vadd.f32 v19, v12;
	v13 =	vadd.f32 v31, v13;
	v19 =	vmul.f32 v23, v23;
	v15 =	vld.idx.msk [tilespmem:v15+s2+$0x0], $0xffff  }
0x2c: {  	v7 =	vadd.f32 v20, v7;
	v14 =	vadd.f32 v26, v14;
	v20 =	vld.idx.msk [tilespmem:v27+s2+$0x0], $0xffff;
	v26 =	vmul.f32 v21, v21  }
0x2d: {  	v12 =	vadd.f32 v23, v12;
	v13 =	vadd.f32 v19, v13;
	v19 =	vmul.f32 v22, v22;
	v17 =	vld.idx.msk [tilespmem:v17+s2+$0x0], $0xffff  }
0x2e: {  	v7 =	vadd.f32 v21, v7;
	v23 =	vmul.f32 v24, v24;
	v14 =	vadd.f32 v26, v14;
	v21 =	vld.idx.msk [tilespmem:v28+s2+$0x0], $0xffff  }
0x2f: {  	v12 =	vadd.f32 v22, v12;
	v13 =	vadd.f32 v19, v13;
	v19 =	vmul.f32 v25, v25;
	v16 =	vld.idx.msk [tilespmem:v16+s2+$0x0], $0xffff  }
0x30: {  	v7 =	vadd.f32 v24, v7;
	v22 =	vmul.f32 v18, v18;
	v14 =	vadd.f32 v23, v14;
	v23 =	vld.idx.msk [tilespmem:v29+s2+$0x0], $0xffff  }
0x31: {  	v12 =	vadd.f32 v25, v12;
	v24 =	vmul.f32 v15, v15;
	v13 =	vadd.f32 v19, v13;
	v5 =	vld.idx.msk [tilespmem:v5+s2+$0x0], $0xffff  }
0x32: {  	v8 =	vadd.f32 v18, v8;
	v9 =	vadd.f32 v22, v9;
	v18 =	vmul.f32 v20, v20  }
0x33: {  	v10 =	vadd.f32 v15, v10;
	v11 =	vadd.f32 v24, v11;
	v15 =	vmul.f32 v17, v17  }
0x34: {  	v8 =	vadd.f32 v20, v8;
	v9 =	vadd.f32 v18, v9;
	v18 =	vmul.f32 v21, v21  }
0x35: {  	v10 =	vadd.f32 v17, v10;
	v11 =	vadd.f32 v15, v11;
	v15 =	vmul.f32 v16, v16  }
0x36: {  	v8 =	vadd.f32 v21, v8;
	v9 =	vadd.f32 v18, v9;
	v17 =	vmul.f32 v23, v23  }
0x37: {  	v10 =	vadd.f32 v16, v10;
	v11 =	vadd.f32 v15, v11;
	v15 =	vmul.f32 v5, v5  }
0x38: {  	v16 =	vadd.s32 s17, v0;
	v8 =	vadd.f32 v23, v8;
	v9 =	vadd.f32 v17, v9  }
0x39: {  	s20 =	sadd.s32 $0xFFFFFFFC, s17;
	s19 =	sadd.s32 $0xFFFFFFF8, s17;
	s18 =	sadd.s32 $0xFFFFFFF4, s17;
	v10 =	vadd.f32 v5, v10;
	v17 =	vand.u32 $0x3FF, v16;
	v11 =	vadd.f32 v15, v11  }
0x3a: {  	s21 =	sadd.s32 $0xFFFFFFF1, s17;
	v18 =	vadd.s32 s19, v0;
	v5 =	vadd.s32 s20, v0;
	v15 =	vadd.s32 s18, v0  }
0x3b: {  	v19 =	vadd.s32 s21, v0;
	v16 =	vand.u32 $0x3FF, v5;
	s18 =	sadd.s32 $0xFFFFFFF2, s17;
	v5 =	vor.u32 v3, v17  }
0x3c: {  	v19 =	vand.u32 $0x3F8, v19;
	v17 =	vand.u32 $0x3FF, v18;
	v20 =	vadd.s32 s18, v0;
	s18 =	sadd.s32 $0xFFFFFFF5, s17  }
0x3d: {  	v18 =	vor.u32 v2, v19;
	v19 =	vand.u32 $0x3FF, v20;
	v20 =	vadd.s32 s18, v0;
	s18 =	sadd.s32 $0xFFFFFFF6, s17  }
0x3e: {  	v19 =	vor.u32 v3, v19;
	v20 =	vand.u32 $0x3FF, v20;
	v21 =	vadd.s32 s18, v0;
	s18 =	sadd.s32 $0xFFFFFFF9, s17  }
.Ltmp0:
0x3f: {  	v20 =	vor.u32 v3, v20;
	v21 =	vand.u32 $0x3FF, v21;
	v22 =	vadd.s32 s18, v0;
	s18 =	sadd.s32 $0xFFFFFFFA, s17;
	(pc) =	sbr.rel @p0 .LBB2_3-.Ltmp0, $4  }
0x40: {  	v23 =	vor.u32 v3, v21;
	v21 =	vand.u32 $0x3F8, v22;
	v22 =	vadd.s32 s18, v0;
	s18 =	sadd.s32 $0xFFFFFFFD, s17  }
0x41: {  	v21 =	vor.u32 v2, v21;
	v22 =	vand.u32 $0x3FF, v22;
	v24 =	vadd.s32 s18, v0;
	s18 =	sadd.s32 $0xFFFFFFFE, s17  }
0x42: {  	s19 =	sadd.s32 $0xFFFFFFF3, s17;
	v22 =	vor.u32 v3, v22;
	v24 =	vand.u32 $0x3FF, v24;
	v25 =	vadd.s32 s18, v0;
	v18 =	vld.idx.msk [tilespmem:v18+s2+$0x0], $0xffff  }
0x43: {  	v26 =	vadd.s32 s19, v0;
	s17 =	sadd.s32 $0x10, s17;
	v24 =	vor.u32 v3, v24;
	v25 =	vand.u32 $0x3FF, v25;
	v19 =	vld.idx.msk [tilespmem:v19+s2+$0x0], $0xffff  }
0x44: {  	_ =	sdelay $0x1  }
0x45: {  	v26 =	vand.u32 $0x3FF, v26;
	v15 =	vand.u32 $0x3FF, v15  }
0x46: {  	s17 =	sadd.s32 $0xFFFFFFF7, s16;
	v25 =	vor.u32 v3, v25;
	v16 =	vor.u32 v3, v16;
	v17 =	vor.u32 v3, v17  }
0x47: {  	v20 =	vld.idx.msk [tilespmem:v20+s2+$0x0], $0xffff;
	s26 =	sadd.s32 $0xFFFFFFFB, s16;
	s28 =	sadd.s32 $0xFFFFFFFF, s16;
	v26 =	vor.u32 v3, v26;
	v27 =	vadd.s32 s17, v0;
	v15 =	vor.u32 v3, v15  }
0x48: {  	v23 =	vld.idx.msk [tilespmem:v23+s2+$0x0], $0xffff;
	v28 =	vadd.s32 s26, v0;
	v29 =	vadd.s32 s28, v0;
	v27 =	vand.u32 $0x3FF, v27  }
0x49: {  	v21 =	vld.idx.msk [tilespmem:v21+s2+$0x0], $0xffff;
	v28 =	vand.u32 $0x3FF, v28;
	v29 =	vand.u32 $0x3FF, v29;
	v27 =	vor.u32 v3, v27  }
0x4a: {  	v22 =	vld.idx.msk [tilespmem:v22+s2+$0x0], $0xffff;
	v30 =	vmul.f32 v18, v18;
	v28 =	vor.u32 v3, v28;
	v7 =	vadd.f32 v18, v7  }
0x4b: {  	v24 =	vld.idx.msk [tilespmem:v24+s2+$0x0], $0xffff;
	v29 =	vor.u32 v3, v29;
	v31 =	vmul.f32 v19, v19;
	v12 =	vadd.f32 v19, v12  }
0x4c: {  	v25 =	vld.idx.msk [tilespmem:v25+s2+$0x0], $0xffff;
	v14 =	vadd.f32 v30, v14;
	v51 =	vmul.f32 v20, v20;
	v7 =	vadd.f32 v20, v7  }
0x4d: {  	v52 =	vmul.f32 v23, v23;
	v26 =	vld.idx.msk [tilespmem:v26+s2+$0x0], $0xffff;
	v13 =	vadd.f32 v31, v13;
	v12 =	vadd.f32 v23, v12  }
0x4e: {  	v53 =	vmul.f32 v21, v21;
	v15 =	vld.idx.msk [tilespmem:v15+s2+$0x0], $0xffff;
	v14 =	vadd.f32 v51, v14;
	v7 =	vadd.f32 v21, v7  }
0x4f: {  	v55 =	vmul.f32 v22, v22;
	v54 =	vld.idx.msk [tilespmem:v27+s2+$0x0], $0xffff;
	v13 =	vadd.f32 v52, v13;
	v12 =	vadd.f32 v22, v12  }
0x50: {  	v17 =	vld.idx.msk [tilespmem:v17+s2+$0x0], $0xffff;
	v56 =	vmul.f32 v24, v24;
	v14 =	vadd.f32 v53, v14;
	v7 =	vadd.f32 v24, v7  }
0x51: {  	v57 =	vld.idx.msk [tilespmem:v28+s2+$0x0], $0xffff;
	v13 =	vadd.f32 v55, v13;
	v58 =	vmul.f32 v25, v25;
	v12 =	vadd.f32 v25, v12  }
0x52: {  	v16 =	vld.idx.msk [tilespmem:v16+s2+$0x0], $0xffff;
	v59 =	vmul.f32 v26, v26;
	v14 =	vadd.f32 v56, v14;
	v8 =	vadd.f32 v26, v8  }
0x53: {  	v61 =	vld.idx.msk [tilespmem:v29+s2+$0x0], $0xffff;
	v60 =	vmul.f32 v15, v15;
	v10 =	vadd.f32 v15, v10;
	v13 =	vadd.f32 v58, v13  }
0x54: {  	v7 =	vadd.f32 v12, v7;
	v9 =	vadd.f32 v59, v9;
	v62 =	vmul.f32 v54, v54  }
0x55: {  	v5 =	vld.idx.msk [tilespmem:v5+s2+$0x0], $0xffff;
	v15 =	vmul.f32 v17, v17;
	v11 =	vadd.f32 v60, v11;
	v8 =	vadd.f32 v54, v8  }
0x56: {  	v63 =	vmul.f32 v57, v57;
	v10 =	vadd.f32 v17, v10;
	v9 =	vadd.f32 v62, v9  }
0x57: {  	v11 =	vadd.f32 v15, v11;
	v15 =	vmul.f32 v16, v16;
	v8 =	vadd.f32 v57, v8  }
0x58: {  	v17 =	vmul.f32 v61, v61;
	v10 =	vadd.f32 v16, v10;
	v9 =	vadd.f32 v63, v9  }
0x59: {  	v11 =	vadd.f32 v15, v11;
	v8 =	vadd.f32 v61, v8  }
0x5a: {  	v12 =	vmul.f32 v5, v5;
	v5 =	vadd.f32 v5, v10;
	v9 =	vadd.f32 v17, v9  }
0x5b: {  	v7 =	vadd.f32 v8, v7;
	v8 =	vadd.f32 v13, v14  }
0x5c: {  	v10 =	vadd.f32 v12, v11  }
0x5d: {  	v5 =	vadd.f32 v5, v7;
	v7 =	vadd.f32 v9, v8;
	_ =	sdelay $0x1  }
0x5e: {  	v7 =	vadd.f32 v10, v7;
	v5 =	vmul.f32 $9.765625000e-04, v5;
	_ =	sdelay $0x1  }
0x5f: {  	v7 =	vmul.f32 $9.765625000e-04, v7;
	v8 =	vmul.f32 v5, v5;
	_ =	sdelay $0x1  }
0x60: {  	v7 =	vsub.f32 v7, v8;
	_ =	sdelay $0x1  }
0x61: {  	v7 =	vadd.f32 $9.999999970e-07, v7;
	_ =	sdelay $0x1  }
0x62: {  	v8 =	vshra.s32 v7, $0x1;
	v7 =	vmul.f32 $5.000000000e-01, v7  }
0x63: {  	v8 =	vsub.s32 $0x5F3759DF, v8  }
0x64: {  	v9 =	vmul.f32 v8, v7;
	_ =	sdelay $0x1  }
0x65: {  	v9 =	vmul.f32 v8, v9;
	_ =	sdelay $0x1  }
0x66: {  	v9 =	vsub.f32 $1.500000000e+00, v9;
	_ =	sdelay $0x1  }
0x67: {  	v8 =	vmul.f32 v8, v9;
	_ =	sdelay $0x1  }
0x68: {  	v9 =	vmul.f32 v8, v7  }
0x69: {  	s29 =	simm.s32 $0x0  }
0x6a: {  	v10 =	vadd.s32 s29, v0;
	v9 =	vmul.f32 v9, v8  }
0x6b: {  	v11 =	vand.u32 $0x3F8, v10  }
0x6c: {  	v12 =	vor.u32 v2, v11;
	v9 =	vsub.f32 $1.500000000e+00, v9;
	_ =	sdelay $0x1  }
0x6d: {  	v6 =	vshll.u32 v6, $0xB;
	v8 =	vmul.f32 v9, v8  }
0x6e: {  	v9 =	vor.u32 v1, v6  }
0x6f: {  	v13 =	vor.u32 v11, v9;
	v7 =	vmul.f32 v8, v7  }
0x70: {  	v10 =	vor.u32 v4, v6;
	v14 =	vld.idx.msk [tilespmem:v12+s2+$0x0], $0xffff  }
0x71: {  	v11 =	vor.u32 v11, v10;
	v7 =	vmul.f32 v7, v8;
	_ =	sdelay $0x1  }
0x72: {  	v7 =	vsub.f32 $1.500000000e+00, v7  }
0x73: {  	v13 =	vld.idx.msk [tilespmem:v13+s9+$0x0], $0xffff  }
0x74: {  	v7 =	vmul.f32 v7, v8;
	v8 =	vsub.f32 v14, v5  }
0x75: {  	s30 =	simm.s32 $0x1;
	v11 =	vld.idx.msk [tilespmem:v11+s9+$0x0], $0xffff  }
0x76: {  	v14 =	vadd.s32 s30, v0;
	v8 =	vmul.f32 v8, v7  }
0x77: {  	v14 =	vand.u32 $0x3FF, v14  }
0x78: {  	v8 =	vmul.f32 v8, v13;
	v13 =	vor.u32 v3, v14;
	_ =	sdelay $0x1  }
0x79: {  	v8 =	vadd.f32 v8, v11;
	_ =	sdelay $0x1  }
0x7a: {  	v11 =	vor.u32 v6, v14;
	[tilespmem:v12+s12+$0x0] =	vst.idx.msk $0xffff, v8  }
0x7b: {  	v8 =	vor.u32 $0x400, v6;
	v12 =	vld.idx.msk [tilespmem:v13+s2+$0x0], $0xffff  }
0x7c: {  	v14 =	vor.u32 v14, v8;
	_ =	sdelay $0x2  }
0x7d: {  	v11 =	vld.idx.msk [tilespmem:v11+s9+$0x0], $0xffff  }
0x7e: {  	v12 =	vsub.f32 v12, v5  }
0x7f: {  	s31 =	simm.s32 $0x2;
	v14 =	vld.idx.msk [tilespmem:v14+s9+$0x0], $0xffff  }
0x80: {  	v15 =	vadd.s32 s31, v0;
	v12 =	vmul.f32 v12, v7  }
0x81: {  	v15 =	vand.u32 $0x3FF, v15  }
0x82: {  	v11 =	vmul.f32 v12, v11;
	v12 =	vor.u32 v3, v15;
	_ =	sdelay $0x1  }
0x83: {  	v11 =	vadd.f32 v11, v14;
	_ =	sdelay $0x1  }
0x84: {  	[tilespmem:v13+s12+$0x0] =	vst.idx.msk $0xffff, v11;
	v11 =	vor.u32 v6, v15  }
0x85: {  	v13 =	vld.idx.msk [tilespmem:v12+s2+$0x0], $0xffff  }
0x86: {  	v14 =	vor.u32 v15, v8;
	_ =	sdelay $0x2  }
0x87: {  	v11 =	vld.idx.msk [tilespmem:v11+s9+$0x0], $0xffff  }
0x88: {  	v13 =	vsub.f32 v13, v5  }
0x89: {  	s17 =	simm.s32 $0x3;
	v14 =	vld.idx.msk [tilespmem:v14+s9+$0x0], $0xffff  }
0x8a: {  	v15 =	vadd.s32 s17, v0;
	v13 =	vmul.f32 v13, v7  }
0x8b: {  	v15 =	vand.u32 $0x3FF, v15  }
0x8c: {  	v11 =	vmul.f32 v13, v11;
	v13 =	vor.u32 v3, v15;
	_ =	sdelay $0x1  }
0x8d: {  	v11 =	vadd.f32 v11, v14;
	_ =	sdelay $0x1  }
0x8e: {  	[tilespmem:v12+s12+$0x0] =	vst.idx.msk $0xffff, v11;
	v11 =	vor.u32 v6, v15  }
0x8f: {  	v12 =	vld.idx.msk [tilespmem:v13+s2+$0x0], $0xffff  }
0x90: {  	v14 =	vor.u32 v15, v8;
	_ =	sdelay $0x2  }
0x91: {  	v11 =	vld.idx.msk [tilespmem:v11+s9+$0x0], $0xffff  }
0x92: {  	v12 =	vsub.f32 v12, v5  }
0x93: {  	s18 =	simm.s32 $0x4;
	v14 =	vld.idx.msk [tilespmem:v14+s9+$0x0], $0xffff  }
0x94: {  	v15 =	vadd.s32 s18, v0;
	v12 =	vmul.f32 v12, v7  }
0x95: {  	v15 =	vand.u32 $0x3FF, v15  }
0x96: {  	v11 =	vmul.f32 v12, v11;
	v12 =	vor.u32 v3, v15;
	_ =	sdelay $0x1  }
0x97: {  	v11 =	vadd.f32 v11, v14;
	_ =	sdelay $0x1  }
0x98: {  	[tilespmem:v13+s12+$0x0] =	vst.idx.msk $0xffff, v11;
	v11 =	vor.u32 v6, v15  }
0x99: {  	v13 =	vld.idx.msk [tilespmem:v12+s2+$0x0], $0xffff  }
0x9a: {  	v14 =	vor.u32 v15, v8;
	_ =	sdelay $0x2  }
0x9b: {  	v11 =	vld.idx.msk [tilespmem:v11+s9+$0x0], $0xffff  }
0x9c: {  	v13 =	vsub.f32 v13, v5  }
0x9d: {  	s19 =	simm.s32 $0x5;
	v14 =	vld.idx.msk [tilespmem:v14+s9+$0x0], $0xffff  }
0x9e: {  	v15 =	vadd.s32 s19, v0;
	v13 =	vmul.f32 v13, v7  }
0x9f: {  	v15 =	vand.u32 $0x3FF, v15  }
0xa0: {  	v11 =	vmul.f32 v13, v11;
	v13 =	vor.u32 v3, v15;
	_ =	sdelay $0x1  }
0xa1: {  	v11 =	vadd.f32 v11, v14;
	_ =	sdelay $0x1  }
0xa2: {  	[tilespmem:v12+s12+$0x0] =	vst.idx.msk $0xffff, v11;
	v11 =	vor.u32 v6, v15  }
0xa3: {  	v12 =	vld.idx.msk [tilespmem:v13+s2+$0x0], $0xffff  }
0xa4: {  	v14 =	vor.u32 v15, v8;
	_ =	sdelay $0x2  }
0xa5: {  	v11 =	vld.idx.msk [tilespmem:v11+s9+$0x0], $0xffff  }
0xa6: {  	v12 =	vsub.f32 v12, v5  }
0xa7: {  	s20 =	simm.s32 $0x6;
	v14 =	vld.idx.msk [tilespmem:v14+s9+$0x0], $0xffff  }
0xa8: {  	v15 =	vadd.s32 s20, v0;
	v12 =	vmul.f32 v12, v7  }
0xa9: {  	v15 =	vand.u32 $0x3FF, v15  }
0xaa: {  	v11 =	vmul.f32 v12, v11;
	v12 =	vor.u32 v3, v15;
	_ =	sdelay $0x1  }
0xab: {  	v11 =	vadd.f32 v11, v14;
	_ =	sdelay $0x1  }
0xac: {  	[tilespmem:v13+s12+$0x0] =	vst.idx.msk $0xffff, v11;
	v11 =	vor.u32 v6, v15  }
0xad: {  	v13 =	vld.idx.msk [tilespmem:v12+s2+$0x0], $0xffff  }
0xae: {  	v14 =	vor.u32 v15, v8;
	_ =	sdelay $0x2  }
0xaf: {  	v11 =	vld.idx.msk [tilespmem:v11+s9+$0x0], $0xffff  }
0xb0: {  	v13 =	vsub.f32 v13, v5  }
0xb1: {  	s21 =	simm.s32 $0x7;
	v14 =	vld.idx.msk [tilespmem:v14+s9+$0x0], $0xffff  }
0xb2: {  	v15 =	vadd.s32 s21, v0;
	v13 =	vmul.f32 v13, v7  }
0xb3: {  	v15 =	vand.u32 $0x3FF, v15  }
0xb4: {  	v11 =	vmul.f32 v13, v11;
	v13 =	vor.u32 v3, v15;
	_ =	sdelay $0x1  }
0xb5: {  	v11 =	vadd.f32 v11, v14;
	_ =	sdelay $0x1  }
0xb6: {  	[tilespmem:v12+s12+$0x0] =	vst.idx.msk $0xffff, v11;
	v11 =	vor.u32 v6, v15  }
0xb7: {  	v12 =	vld.idx.msk [tilespmem:v13+s2+$0x0], $0xffff  }
0xb8: {  	v14 =	vor.u32 v15, v8;
	_ =	sdelay $0x2  }
0xb9: {  	v11 =	vld.idx.msk [tilespmem:v11+s9+$0x0], $0xffff  }
0xba: {  	v12 =	vsub.f32 v12, v5  }
0xbb: {  	s22 =	simm.s32 $0x8;
	v14 =	vld.idx.msk [tilespmem:v14+s9+$0x0], $0xffff  }
0xbc: {  	v15 =	vadd.s32 s22, v0;
	v12 =	vmul.f32 v12, v7  }
0xbd: {  	v15 =	vand.u32 $0x3F8, v15  }
0xbe: {  	v11 =	vmul.f32 v12, v11;
	v12 =	vor.u32 v2, v15;
	_ =	sdelay $0x1  }
0xbf: {  	v11 =	vadd.f32 v11, v14;
	_ =	sdelay $0x1  }
0xc0: {  	[tilespmem:v13+s12+$0x0] =	vst.idx.msk $0xffff, v11;
	v11 =	vor.u32 v15, v9  }
0xc1: {  	v13 =	vld.idx.msk [tilespmem:v12+s2+$0x0], $0xffff  }
0xc2: {  	v14 =	vor.u32 v15, v10;
	_ =	sdelay $0x2  }
0xc3: {  	v11 =	vld.idx.msk [tilespmem:v11+s9+$0x0], $0xffff  }
0xc4: {  	v13 =	vsub.f32 v13, v5  }
0xc5: {  	s23 =	simm.s32 $0x9;
	v14 =	vld.idx.msk [tilespmem:v14+s9+$0x0], $0xffff  }
0xc6: {  	v15 =	vadd.s32 s23, v0;
	v13 =	vmul.f32 v13, v7  }
0xc7: {  	v15 =	vand.u32 $0x3FF, v15  }
0xc8: {  	v11 =	vmul.f32 v13, v11;
	v13 =	vor.u32 v3, v15;
	_ =	sdelay $0x1  }
0xc9: {  	v11 =	vadd.f32 v11, v14;
	_ =	sdelay $0x1  }
0xca: {  	v14 =	vor.u32 v6, v15;
	[tilespmem:v12+s12+$0x0] =	vst.idx.msk $0xffff, v11  }
0xcb: {  	v11 =	vld.idx.msk [tilespmem:v13+s2+$0x0], $0xffff  }
0xcc: {  	v12 =	vor.u32 v15, v8;
	_ =	sdelay $0x2  }
0xcd: {  	v14 =	vld.idx.msk [tilespmem:v14+s9+$0x0], $0xffff  }
0xce: {  	v11 =	vsub.f32 v11, v5  }
0xcf: {  	s24 =	simm.s32 $0xA;
	v12 =	vld.idx.msk [tilespmem:v12+s9+$0x0], $0xffff  }
0xd0: {  	v15 =	vadd.s32 s24, v0;
	v11 =	vmul.f32 v11, v7  }
0xd1: {  	v15 =	vand.u32 $0x3FF, v15  }
0xd2: {  	v11 =	vmul.f32 v11, v14;
	v14 =	vor.u32 v3, v15;
	_ =	sdelay $0x1  }
0xd3: {  	v11 =	vadd.f32 v11, v12;
	_ =	sdelay $0x1  }
0xd4: {  	v12 =	vor.u32 v6, v15;
	[tilespmem:v13+s12+$0x0] =	vst.idx.msk $0xffff, v11  }
0xd5: {  	v11 =	vld.idx.msk [tilespmem:v14+s2+$0x0], $0xffff  }
0xd6: {  	v13 =	vor.u32 v15, v8;
	_ =	sdelay $0x2  }
0xd7: {  	v12 =	vld.idx.msk [tilespmem:v12+s9+$0x0], $0xffff  }
0xd8: {  	v11 =	vsub.f32 v11, v5  }
0xd9: {  	s25 =	simm.s32 $0xB;
	v13 =	vld.idx.msk [tilespmem:v13+s9+$0x0], $0xffff  }
0xda: {  	v15 =	vadd.s32 s25, v0;
	v11 =	vmul.f32 v11, v7  }
0xdb: {  	v15 =	vand.u32 $0x3FF, v15  }
0xdc: {  	v11 =	vmul.f32 v11, v12;
	v12 =	vor.u32 v3, v15;
	_ =	sdelay $0x1  }
0xdd: {  	v11 =	vadd.f32 v11, v13;
	_ =	sdelay $0x1  }
0xde: {  	v13 =	vor.u32 v6, v15;
	[tilespmem:v14+s12+$0x0] =	vst.idx.msk $0xffff, v11  }
0xdf: {  	v11 =	vld.idx.msk [tilespmem:v12+s2+$0x0], $0xffff  }
0xe0: {  	v14 =	vor.u32 v15, v8;
	_ =	sdelay $0x2  }
0xe1: {  	v13 =	vld.idx.msk [tilespmem:v13+s9+$0x0], $0xffff  }
0xe2: {  	v11 =	vsub.f32 v11, v5  }
0xe3: {  	s26 =	simm.s32 $0xC;
	v14 =	vld.idx.msk [tilespmem:v14+s9+$0x0], $0xffff  }
0xe4: {  	v15 =	vadd.s32 s26, v0;
	v11 =	vmul.f32 v11, v7  }
0xe5: {  	v15 =	vand.u32 $0x3FF, v15  }
0xe6: {  	v11 =	vmul.f32 v11, v13;
	v13 =	vor.u32 v3, v15;
	_ =	sdelay $0x1  }
0xe7: {  	v11 =	vadd.f32 v11, v14;
	_ =	sdelay $0x1  }
0xe8: {  	v14 =	vor.u32 v6, v15;
	[tilespmem:v12+s12+$0x0] =	vst.idx.msk $0xffff, v11  }
0xe9: {  	v11 =	vld.idx.msk [tilespmem:v13+s2+$0x0], $0xffff  }
0xea: {  	v12 =	vor.u32 v15, v8;
	_ =	sdelay $0x2  }
0xeb: {  	v14 =	vld.idx.msk [tilespmem:v14+s9+$0x0], $0xffff  }
0xec: {  	v11 =	vsub.f32 v11, v5  }
0xed: {  	s28 =	simm.s32 $0xD;
	v12 =	vld.idx.msk [tilespmem:v12+s9+$0x0], $0xffff  }
0xee: {  	v15 =	vadd.s32 s28, v0;
	v11 =	vmul.f32 v11, v7  }
0xef: {  	v15 =	vand.u32 $0x3FF, v15  }
0xf0: {  	v11 =	vmul.f32 v11, v14;
	v14 =	vor.u32 v3, v15;
	_ =	sdelay $0x1  }
0xf1: {  	v11 =	vadd.f32 v11, v12;
	_ =	sdelay $0x1  }
0xf2: {  	v12 =	vor.u32 v6, v15;
	[tilespmem:v13+s12+$0x0] =	vst.idx.msk $0xffff, v11  }
0xf3: {  	v11 =	vld.idx.msk [tilespmem:v14+s2+$0x0], $0xffff  }
0xf4: {  	v13 =	vor.u32 v15, v8;
	_ =	sdelay $0x2  }
0xf5: {  	v12 =	vld.idx.msk [tilespmem:v12+s9+$0x0], $0xffff  }
0xf6: {  	v11 =	vsub.f32 v11, v5  }
0xf7: {  	s29 =	simm.s32 $0xE;
	v13 =	vld.idx.msk [tilespmem:v13+s9+$0x0], $0xffff  }
0xf8: {  	v15 =	vadd.s32 s29, v0;
	v11 =	vmul.f32 v11, v7  }
0xf9: {  	v15 =	vand.u32 $0x3FF, v15  }
0xfa: {  	v11 =	vmul.f32 v11, v12;
	v12 =	vor.u32 v3, v15;
	_ =	sdelay $0x1  }
0xfb: {  	v11 =	vadd.f32 v11, v13;
	_ =	sdelay $0x1  }
0xfc: {  	v13 =	vor.u32 v6, v15;
	[tilespmem:v14+s12+$0x0] =	vst.idx.msk $0xffff, v11  }
0xfd: {  	v11 =	vld.idx.msk [tilespmem:v12+s2+$0x0], $0xffff  }
0xfe: {  	v14 =	vor.u32 v15, v8;
	_ =	sdelay $0x2  }
0xff: {  	v13 =	vld.idx.msk [tilespmem:v13+s9+$0x0], $0xffff  }
0x100: {  	v11 =	vsub.f32 v11, v5  }
0x101: {  	s30 =	simm.s32 $0xF;
	v14 =	vld.idx.msk [tilespmem:v14+s9+$0x0], $0xffff  }
0x102: {  	v15 =	vadd.s32 s30, v0;
	v11 =	vmul.f32 v11, v7  }
0x103: {  	v15 =	vand.u32 $0x3FF, v15  }
0x104: {  	v13 =	vmul.f32 v11, v13;
	v11 =	vor.u32 v3, v15;
	_ =	sdelay $0x1  }
0x105: {  	v13 =	vadd.f32 v13, v14;
	_ =	sdelay $0x1  }
0x106: {  	v14 =	vor.u32 v6, v15;
	[tilespmem:v12+s12+$0x0] =	vst.idx.msk $0xffff, v13  }
0x107: {  	v12 =	vld.idx.msk [tilespmem:v11+s2+$0x0], $0xffff  }
0x108: {  	v13 =	vor.u32 v15, v8;
	_ =	sdelay $0x2  }
0x109: {  	v14 =	vld.idx.msk [tilespmem:v14+s9+$0x0], $0xffff  }
0x10a: {  	v12 =	vsub.f32 v12, v5  }
0x10b: {  	s31 =	simm.s32 $0x10;
	v15 =	vld.idx.msk [tilespmem:v13+s9+$0x0], $0xffff  }
0x10c: {  	v13 =	vadd.s32 s31, v0;
	v12 =	vmul.f32 v12, v7  }
0x10d: {  	v13 =	vand.u32 $0x3F8, v13  }
0x10e: {  	v16 =	vmul.f32 v12, v14;
	v12 =	vor.u32 v2, v13;
	_ =	sdelay $0x1  }
0x10f: {  	s16 =	simm.s32 $0x1F;
	s17 =	simm.s32 $0x2F;
	v14 =	vor.u32 v13, v9;
	v13 =	vor.u32 v13, v10;
	v15 =	vadd.f32 v16, v15  }
.LBB2_5:
0x110: {  	_ = 	snop  }
0x111: {  	p0 =	sne.s32 s17, $0x3FF;
	s18 =	smov.u32 s17;
	s17 =	sadd.s32 $0x10, s17;
	[tilespmem:v11+s12+$0x0] =	vst.idx.msk $0xffff, v15  }
0x112: {  	v11 =	vld.idx.msk [tilespmem:v12+s2+$0x0], $0xffff;
	_ =	sdelay $0x3  }
0x113: {  	v14 =	vld.idx.msk [tilespmem:v14+s9+$0x0], $0xffff;
	_ =	sdelay $0x1  }
0x114: {  	v11 =	vsub.f32 v11, v5;
	v13 =	vld.idx.msk [tilespmem:v13+s9+$0x0], $0xffff  }
0x115: {  	s19 =	sadd.s32 $0xFFFFFFF2, s16  }
0x116: {  	v15 =	vadd.s32 s19, v0;
	v11 =	vmul.f32 v11, v7  }
0x117: {  	v15 =	vand.u32 $0x3FF, v15  }
0x118: {  	v11 =	vmul.f32 v11, v14;
	v14 =	vor.u32 v3, v15;
	_ =	sdelay $0x1  }
0x119: {  	v11 =	vadd.f32 v11, v13;
	_ =	sdelay $0x1  }
0x11a: {  	[tilespmem:v12+s12+$0x0] =	vst.idx.msk $0xffff, v11;
	v11 =	vor.u32 v6, v15  }
0x11b: {  	v12 =	vld.idx.msk [tilespmem:v14+s2+$0x0], $0xffff  }
0x11c: {  	v13 =	vor.u32 v15, v8;
	_ =	sdelay $0x2  }
0x11d: {  	v11 =	vld.idx.msk [tilespmem:v11+s9+$0x0], $0xffff;
	_ =	sdelay $0x1  }
0x11e: {  	v12 =	vsub.f32 v12, v5;
	v13 =	vld.idx.msk [tilespmem:v13+s9+$0x0], $0xffff  }
0x11f: {  	s19 =	sadd.s32 $0xFFFFFFF3, s16  }
0x120: {  	v15 =	vadd.s32 s19, v0;
	v12 =	vmul.f32 v12, v7  }
0x121: {  	v15 =	vand.u32 $0x3FF, v15  }
0x122: {  	v11 =	vmul.f32 v12, v11;
	v12 =	vor.u32 v3, v15;
	_ =	sdelay $0x1  }
0x123: {  	v11 =	vadd.f32 v11, v13;
	_ =	sdelay $0x1  }
0x124: {  	[tilespmem:v14+s12+$0x0] =	vst.idx.msk $0xffff, v11;
	v11 =	vor.u32 v6, v15  }
0x125: {  	v13 =	vld.idx.msk [tilespmem:v12+s2+$0x0], $0xffff  }
0x126: {  	v14 =	vor.u32 v15, v8;
	_ =	sdelay $0x2  }
0x127: {  	v11 =	vld.idx.msk [tilespmem:v11+s9+$0x0], $0xffff;
	_ =	sdelay $0x1  }
0x128: {  	v13 =	vsub.f32 v13, v5;
	v14 =	vld.idx.msk [tilespmem:v14+s9+$0x0], $0xffff  }
0x129: {  	s19 =	sadd.s32 $0xFFFFFFF4, s16  }
0x12a: {  	v15 =	vadd.s32 s19, v0;
	v13 =	vmul.f32 v13, v7  }
0x12b: {  	v15 =	vand.u32 $0x3FF, v15  }
0x12c: {  	v11 =	vmul.f32 v13, v11;
	v13 =	vor.u32 v3, v15;
	_ =	sdelay $0x1  }
0x12d: {  	v11 =	vadd.f32 v11, v14;
	_ =	sdelay $0x1  }
0x12e: {  	[tilespmem:v12+s12+$0x0] =	vst.idx.msk $0xffff, v11;
	v11 =	vor.u32 v6, v15  }
0x12f: {  	v12 =	vld.idx.msk [tilespmem:v13+s2+$0x0], $0xffff  }
0x130: {  	v14 =	vor.u32 v15, v8;
	_ =	sdelay $0x2  }
0x131: {  	v11 =	vld.idx.msk [tilespmem:v11+s9+$0x0], $0xffff;
	_ =	sdelay $0x1  }
0x132: {  	v12 =	vsub.f32 v12, v5;
	v14 =	vld.idx.msk [tilespmem:v14+s9+$0x0], $0xffff  }
0x133: {  	s19 =	sadd.s32 $0xFFFFFFF5, s16  }
0x134: {  	v15 =	vadd.s32 s19, v0;
	v12 =	vmul.f32 v12, v7  }
0x135: {  	v15 =	vand.u32 $0x3FF, v15  }
0x136: {  	v11 =	vmul.f32 v12, v11;
	v12 =	vor.u32 v3, v15;
	_ =	sdelay $0x1  }
0x137: {  	v11 =	vadd.f32 v11, v14;
	_ =	sdelay $0x1  }
0x138: {  	[tilespmem:v13+s12+$0x0] =	vst.idx.msk $0xffff, v11;
	v11 =	vor.u32 v6, v15  }
0x139: {  	v13 =	vld.idx.msk [tilespmem:v12+s2+$0x0], $0xffff  }
0x13a: {  	v14 =	vor.u32 v15, v8;
	_ =	sdelay $0x2  }
0x13b: {  	v11 =	vld.idx.msk [tilespmem:v11+s9+$0x0], $0xffff;
	_ =	sdelay $0x1  }
0x13c: {  	v13 =	vsub.f32 v13, v5;
	v14 =	vld.idx.msk [tilespmem:v14+s9+$0x0], $0xffff  }
0x13d: {  	s19 =	sadd.s32 $0xFFFFFFF6, s16  }
0x13e: {  	v15 =	vadd.s32 s19, v0;
	v13 =	vmul.f32 v13, v7  }
0x13f: {  	v15 =	vand.u32 $0x3FF, v15  }
0x140: {  	v11 =	vmul.f32 v13, v11;
	v13 =	vor.u32 v3, v15;
	_ =	sdelay $0x1  }
0x141: {  	v11 =	vadd.f32 v11, v14;
	_ =	sdelay $0x1  }
0x142: {  	[tilespmem:v12+s12+$0x0] =	vst.idx.msk $0xffff, v11;
	v11 =	vor.u32 v6, v15  }
0x143: {  	v12 =	vld.idx.msk [tilespmem:v13+s2+$0x0], $0xffff  }
0x144: {  	v14 =	vor.u32 v15, v8;
	_ =	sdelay $0x2  }
0x145: {  	v11 =	vld.idx.msk [tilespmem:v11+s9+$0x0], $0xffff;
	_ =	sdelay $0x1  }
0x146: {  	v12 =	vsub.f32 v12, v5;
	v14 =	vld.idx.msk [tilespmem:v14+s9+$0x0], $0xffff  }
0x147: {  	s19 =	sadd.s32 $0xFFFFFFF7, s16  }
0x148: {  	v15 =	vadd.s32 s19, v0;
	v12 =	vmul.f32 v12, v7  }
0x149: {  	v15 =	vand.u32 $0x3FF, v15  }
0x14a: {  	v11 =	vmul.f32 v12, v11;
	v12 =	vor.u32 v3, v15;
	_ =	sdelay $0x1  }
0x14b: {  	v11 =	vadd.f32 v11, v14;
	_ =	sdelay $0x1  }
0x14c: {  	[tilespmem:v13+s12+$0x0] =	vst.idx.msk $0xffff, v11;
	v11 =	vor.u32 v6, v15  }
0x14d: {  	v13 =	vld.idx.msk [tilespmem:v12+s2+$0x0], $0xffff  }
0x14e: {  	v14 =	vor.u32 v15, v8;
	_ =	sdelay $0x2  }
0x14f: {  	v11 =	vld.idx.msk [tilespmem:v11+s9+$0x0], $0xffff;
	_ =	sdelay $0x1  }
0x150: {  	v13 =	vsub.f32 v13, v5;
	v14 =	vld.idx.msk [tilespmem:v14+s9+$0x0], $0xffff  }
0x151: {  	s19 =	sadd.s32 $0xFFFFFFF8, s16  }
0x152: {  	v15 =	vadd.s32 s19, v0;
	v13 =	vmul.f32 v13, v7  }
0x153: {  	v15 =	vand.u32 $0x3FF, v15  }
0x154: {  	v11 =	vmul.f32 v13, v11;
	v13 =	vor.u32 v3, v15;
	_ =	sdelay $0x1  }
0x155: {  	v11 =	vadd.f32 v11, v14;
	_ =	sdelay $0x1  }
0x156: {  	[tilespmem:v12+s12+$0x0] =	vst.idx.msk $0xffff, v11;
	v11 =	vor.u32 v6, v15  }
0x157: {  	v12 =	vld.idx.msk [tilespmem:v13+s2+$0x0], $0xffff  }
0x158: {  	v14 =	vor.u32 v15, v8;
	_ =	sdelay $0x2  }
0x159: {  	v11 =	vld.idx.msk [tilespmem:v11+s9+$0x0], $0xffff;
	_ =	sdelay $0x1  }
0x15a: {  	v12 =	vsub.f32 v12, v5;
	v14 =	vld.idx.msk [tilespmem:v14+s9+$0x0], $0xffff  }
0x15b: {  	s19 =	sadd.s32 $0xFFFFFFF9, s16  }
0x15c: {  	v15 =	vadd.s32 s19, v0;
	v12 =	vmul.f32 v12, v7  }
0x15d: {  	v15 =	vand.u32 $0x3F8, v15  }
0x15e: {  	v11 =	vmul.f32 v12, v11;
	v12 =	vor.u32 v2, v15;
	_ =	sdelay $0x1  }
0x15f: {  	v11 =	vadd.f32 v11, v14;
	_ =	sdelay $0x1  }
0x160: {  	[tilespmem:v13+s12+$0x0] =	vst.idx.msk $0xffff, v11;
	v11 =	vor.u32 v15, v9  }
0x161: {  	v13 =	vld.idx.msk [tilespmem:v12+s2+$0x0], $0xffff  }
0x162: {  	v14 =	vor.u32 v15, v10;
	_ =	sdelay $0x2  }
0x163: {  	v11 =	vld.idx.msk [tilespmem:v11+s9+$0x0], $0xffff;
	_ =	sdelay $0x1  }
0x164: {  	v13 =	vsub.f32 v13, v5;
	v14 =	vld.idx.msk [tilespmem:v14+s9+$0x0], $0xffff  }
0x165: {  	s19 =	sadd.s32 $0xFFFFFFFA, s16  }
0x166: {  	v15 =	vadd.s32 s19, v0;
	v13 =	vmul.f32 v13, v7  }
0x167: {  	v15 =	vand.u32 $0x3FF, v15  }
0x168: {  	v11 =	vmul.f32 v13, v11;
	v13 =	vor.u32 v3, v15  }
0x169: {  	v16 =	vor.u32 v6, v15  }
0x16a: {  	v11 =	vadd.f32 v11, v14;
	v14 =	vor.u32 v15, v8;
	_ =	sdelay $0x1  }
0x16b: {  	[tilespmem:v12+s12+$0x0] =	vst.idx.msk $0xffff, v11  }
0x16c: {  	v11 =	vld.idx.msk [tilespmem:v13+s2+$0x0], $0xffff  }
0x16d: {  	v12 =	vld.idx.msk [tilespmem:v16+s9+$0x0], $0xffff  }
0x16e: {  	v14 =	vld.idx.msk [tilespmem:v14+s9+$0x0], $0xffff;
	_ =	sdelay $0x3  }
0x16f: {  	v11 =	vsub.f32 v11, v5  }
0x170: {  	s19 =	sadd.s32 $0xFFFFFFFB, s16  }
0x171: {  	v15 =	vadd.s32 s19, v0;
	v11 =	vmul.f32 v11, v7  }
0x172: {  	v15 =	vand.u32 $0x3FF, v15  }
0x173: {  	v11 =	vmul.f32 v11, v12;
	v12 =	vor.u32 v3, v15  }
0x174: {  	v16 =	vor.u32 v6, v15  }
0x175: {  	v11 =	vadd.f32 v11, v14;
	v14 =	vor.u32 v15, v8;
	_ =	sdelay $0x1  }
0x176: {  	[tilespmem:v13+s12+$0x0] =	vst.idx.msk $0xffff, v11  }
0x177: {  	v11 =	vld.idx.msk [tilespmem:v12+s2+$0x0], $0xffff  }
0x178: {  	v13 =	vld.idx.msk [tilespmem:v16+s9+$0x0], $0xffff  }
0x179: {  	v14 =	vld.idx.msk [tilespmem:v14+s9+$0x0], $0xffff;
	_ =	sdelay $0x3  }
0x17a: {  	v11 =	vsub.f32 v11, v5  }
0x17b: {  	s19 =	sadd.s32 $0xFFFFFFFC, s16  }
0x17c: {  	v15 =	vadd.s32 s19, v0;
	v11 =	vmul.f32 v11, v7  }
0x17d: {  	v15 =	vand.u32 $0x3FF, v15  }
0x17e: {  	v11 =	vmul.f32 v11, v13;
	v13 =	vor.u32 v3, v15  }
0x17f: {  	v16 =	vor.u32 v6, v15  }
0x180: {  	v11 =	vadd.f32 v11, v14;
	v14 =	vor.u32 v15, v8;
	_ =	sdelay $0x1  }
0x181: {  	[tilespmem:v12+s12+$0x0] =	vst.idx.msk $0xffff, v11  }
0x182: {  	v11 =	vld.idx.msk [tilespmem:v13+s2+$0x0], $0xffff  }
0x183: {  	v12 =	vld.idx.msk [tilespmem:v16+s9+$0x0], $0xffff  }
0x184: {  	v14 =	vld.idx.msk [tilespmem:v14+s9+$0x0], $0xffff;
	_ =	sdelay $0x3  }
0x185: {  	v11 =	vsub.f32 v11, v5  }
0x186: {  	s19 =	sadd.s32 $0xFFFFFFFD, s16  }
0x187: {  	v15 =	vadd.s32 s19, v0;
	v11 =	vmul.f32 v11, v7  }
0x188: {  	v15 =	vand.u32 $0x3FF, v15  }
0x189: {  	v11 =	vmul.f32 v11, v12;
	v12 =	vor.u32 v3, v15  }
0x18a: {  	v16 =	vor.u32 v6, v15  }
0x18b: {  	v11 =	vadd.f32 v11, v14;
	v14 =	vor.u32 v15, v8;
	_ =	sdelay $0x1  }
0x18c: {  	[tilespmem:v13+s12+$0x0] =	vst.idx.msk $0xffff, v11  }
0x18d: {  	v11 =	vld.idx.msk [tilespmem:v12+s2+$0x0], $0xffff  }
0x18e: {  	v13 =	vld.idx.msk [tilespmem:v16+s9+$0x0], $0xffff  }
0x18f: {  	v14 =	vld.idx.msk [tilespmem:v14+s9+$0x0], $0xffff;
	_ =	sdelay $0x3  }
0x190: {  	v11 =	vsub.f32 v11, v5  }
0x191: {  	s19 =	sadd.s32 $0xFFFFFFFE, s16  }
0x192: {  	v15 =	vadd.s32 s19, v0;
	v11 =	vmul.f32 v11, v7  }
0x193: {  	v15 =	vand.u32 $0x3FF, v15  }
0x194: {  	v11 =	vmul.f32 v11, v13;
	v13 =	vor.u32 v3, v15  }
0x195: {  	v16 =	vor.u32 v6, v15  }
0x196: {  	v11 =	vadd.f32 v11, v14;
	v14 =	vor.u32 v15, v8;
	_ =	sdelay $0x1  }
0x197: {  	[tilespmem:v12+s12+$0x0] =	vst.idx.msk $0xffff, v11  }
0x198: {  	v11 =	vld.idx.msk [tilespmem:v13+s2+$0x0], $0xffff  }
0x199: {  	v12 =	vld.idx.msk [tilespmem:v16+s9+$0x0], $0xffff  }
0x19a: {  	v14 =	vld.idx.msk [tilespmem:v14+s9+$0x0], $0xffff;
	_ =	sdelay $0x3  }
0x19b: {  	v11 =	vsub.f32 v11, v5  }
0x19c: {  	s19 =	sadd.s32 $0xFFFFFFFF, s16  }
0x19d: {  	v15 =	vadd.s32 s19, v0;
	v11 =	vmul.f32 v11, v7  }
0x19e: {  	v15 =	vand.u32 $0x3FF, v15  }
0x19f: {  	v11 =	vmul.f32 v11, v12;
	v12 =	vor.u32 v3, v15  }
0x1a0: {  	v16 =	vor.u32 v6, v15  }
0x1a1: {  	v11 =	vadd.f32 v11, v14;
	v14 =	vor.u32 v15, v8;
	_ =	sdelay $0x1  }
0x1a2: {  	[tilespmem:v13+s12+$0x0] =	vst.idx.msk $0xffff, v11  }
0x1a3: {  	v11 =	vld.idx.msk [tilespmem:v12+s2+$0x0], $0xffff  }
0x1a4: {  	v13 =	vld.idx.msk [tilespmem:v16+s9+$0x0], $0xffff  }
0x1a5: {  	v14 =	vld.idx.msk [tilespmem:v14+s9+$0x0], $0xffff;
	_ =	sdelay $0x3  }
0x1a6: {  	v11 =	vsub.f32 v11, v5;
	_ =	sdelay $0x1  }
0x1a7: {  	v15 =	vadd.s32 s16, v0;
	s16 =	smov.u32 s18;
	v11 =	vmul.f32 v11, v7  }
0x1a8: {  	v15 =	vand.u32 $0x3FF, v15  }
0x1a9: {  	v13 =	vmul.f32 v11, v13;
	v11 =	vor.u32 v3, v15  }
0x1aa: {  	v16 =	vor.u32 v6, v15  }
0x1ab: {  	v13 =	vadd.f32 v13, v14;
	v14 =	vor.u32 v15, v8;
	_ =	sdelay $0x1  }
0x1ac: {  	[tilespmem:v12+s12+$0x0] =	vst.idx.msk $0xffff, v13  }
0x1ad: {  	v12 =	vld.idx.msk [tilespmem:v11+s2+$0x0], $0xffff  }
0x1ae: {  	v13 =	vld.idx.msk [tilespmem:v16+s9+$0x0], $0xffff  }
0x1af: {  	v15 =	vld.idx.msk [tilespmem:v14+s9+$0x0], $0xffff;
	_ =	sdelay $0x3  }
0x1b0: {  	v12 =	vsub.f32 v12, v5  }
0x1b1: {  	s18 =	sadd.s32 $0xFFFFFFF1, s16  }
.Ltmp1:
0x1b2: {  	v14 =	vadd.s32 s18, v0;
	v16 =	vmul.f32 v12, v7;
	(pc) =	sbr.rel @p0 .LBB2_5-.Ltmp1, $4  }
0x1b3: {  	v17 =	vand.u32 $0x3F8, v14  }
0x1b4: {  	v14 =	vor.u32 v17, v9;
	v12 =	vor.u32 v2, v17;
	v16 =	vmul.f32 v16, v13  }
0x1b5: {  	v13 =	vor.u32 v17, v10  }
0x1b6: {  	v15 =	vadd.f32 v16, v15  }
0x1b7: {  	_ =	sdelay $0x3  }
0x1b8: {  	[tilespmem:v11+s12+$0x0] =	vst.idx.msk $0xffff, v15  }
0x1b9: {  	v11 =	vld.idx.msk [tilespmem:v12+s2+$0x0], $0xffff;
	_ =	sdelay $0x3  }
0x1ba: {  	v14 =	vld.idx.msk [tilespmem:v14+s9+$0x0], $0xffff  }
0x1bb: {  	v11 =	vsub.f32 v11, v5  }
0x1bc: {  	s17 =	sadd.s32 $0xFFFFFFF2, s16;
	v13 =	vld.idx.msk [tilespmem:v13+s9+$0x0], $0xffff  }
0x1bd: {  	v53 =	vadd.s32 s17, v0;
	v11 =	vmul.f32 v11, v7  }
0x1be: {  	v15 =	vand.u32 $0x3FF, v53  }
0x1bf: {  	v54 =	vor.u32 v3, v15;
	v11 =	vmul.f32 v11, v14;
	_ =	sdelay $0x1  }
0x1c0: {  	v11 =	vadd.f32 v11, v13;
	_ =	sdelay $0x1  }
0x1c1: {  	v55 =	vor.u32 v6, v15;
	[tilespmem:v12+s12+$0x0] =	vst.idx.msk $0xffff, v11  }
0x1c2: {  	v12 =	vld.idx.msk [tilespmem:v54+s2+$0x0], $0xffff  }
0x1c3: {  	v56 =	vor.u32 v15, v8;
	_ =	sdelay $0x2  }
0x1c4: {  	v11 =	vld.idx.msk [tilespmem:v55+s9+$0x0], $0xffff  }
0x1c5: {  	v12 =	vsub.f32 v12, v5  }
0x1c6: {  	s18 =	sadd.s32 $0xFFFFFFF3, s16;
	v13 =	vld.idx.msk [tilespmem:v56+s9+$0x0], $0xffff  }
0x1c7: {  	v57 =	vadd.s32 s18, v0;
	v12 =	vmul.f32 v12, v7  }
0x1c8: {  	v15 =	vand.u32 $0x3FF, v57  }
0x1c9: {  	v58 =	vor.u32 v3, v15;
	v11 =	vmul.f32 v12, v11;
	_ =	sdelay $0x1  }
0x1ca: {  	v11 =	vadd.f32 v11, v13;
	_ =	sdelay $0x1  }
0x1cb: {  	v59 =	vor.u32 v6, v15;
	[tilespmem:v54+s12+$0x0] =	vst.idx.msk $0xffff, v11  }
0x1cc: {  	v60 =	vld.idx.msk [tilespmem:v58+s2+$0x0], $0xffff  }
0x1cd: {  	v61 =	vor.u32 v15, v8;
	_ =	sdelay $0x2  }
0x1ce: {  	v11 =	vld.idx.msk [tilespmem:v59+s9+$0x0], $0xffff  }
0x1cf: {  	v13 =	vsub.f32 v60, v5  }
0x1d0: {  	s19 =	sadd.s32 $0xFFFFFFF4, s16;
	v14 =	vld.idx.msk [tilespmem:v61+s9+$0x0], $0xffff  }
0x1d1: {  	v62 =	vadd.s32 s19, v0;
	v13 =	vmul.f32 v13, v7  }
0x1d2: {  	v15 =	vand.u32 $0x3FF, v62  }
0x1d3: {  	v63 =	vor.u32 v3, v15;
	v11 =	vmul.f32 v13, v11;
	_ =	sdelay $0x1  }
0x1d4: {  	v11 =	vadd.f32 v11, v14;
	_ =	sdelay $0x1  }
0x1d5: {  	v17 =	vor.u32 v6, v15;
	[tilespmem:v58+s12+$0x0] =	vst.idx.msk $0xffff, v11  }
0x1d6: {  	v12 =	vld.idx.msk [tilespmem:v63+s2+$0x0], $0xffff  }
0x1d7: {  	v18 =	vor.u32 v15, v8;
	_ =	sdelay $0x2  }
0x1d8: {  	v11 =	vld.idx.msk [tilespmem:v17+s9+$0x0], $0xffff  }
0x1d9: {  	v12 =	vsub.f32 v12, v5  }
0x1da: {  	s20 =	sadd.s32 $0xFFFFFFF5, s16;
	v14 =	vld.idx.msk [tilespmem:v18+s9+$0x0], $0xffff  }
0x1db: {  	v19 =	vadd.s32 s20, v0;
	v12 =	vmul.f32 v12, v7  }
0x1dc: {  	v15 =	vand.u32 $0x3FF, v19  }
0x1dd: {  	v20 =	vor.u32 v3, v15;
	v11 =	vmul.f32 v12, v11;
	_ =	sdelay $0x1  }
0x1de: {  	v11 =	vadd.f32 v11, v14;
	_ =	sdelay $0x1  }
0x1df: {  	v21 =	vor.u32 v6, v15;
	[tilespmem:v63+s12+$0x0] =	vst.idx.msk $0xffff, v11  }
0x1e0: {  	v13 =	vld.idx.msk [tilespmem:v20+s2+$0x0], $0xffff  }
0x1e1: {  	v22 =	vor.u32 v15, v8;
	_ =	sdelay $0x2  }
0x1e2: {  	v11 =	vld.idx.msk [tilespmem:v21+s9+$0x0], $0xffff  }
0x1e3: {  	v13 =	vsub.f32 v13, v5  }
0x1e4: {  	s21 =	sadd.s32 $0xFFFFFFF6, s16;
	v14 =	vld.idx.msk [tilespmem:v22+s9+$0x0], $0xffff  }
0x1e5: {  	v23 =	vadd.s32 s21, v0;
	v13 =	vmul.f32 v13, v7  }
0x1e6: {  	v15 =	vand.u32 $0x3FF, v23  }
0x1e7: {  	v24 =	vor.u32 v3, v15;
	v11 =	vmul.f32 v13, v11;
	_ =	sdelay $0x1  }
0x1e8: {  	v11 =	vadd.f32 v11, v14;
	_ =	sdelay $0x1  }
0x1e9: {  	v25 =	vor.u32 v6, v15;
	[tilespmem:v20+s12+$0x0] =	vst.idx.msk $0xffff, v11  }
0x1ea: {  	v12 =	vld.idx.msk [tilespmem:v24+s2+$0x0], $0xffff  }
0x1eb: {  	v26 =	vor.u32 v15, v8;
	_ =	sdelay $0x2  }
0x1ec: {  	v11 =	vld.idx.msk [tilespmem:v25+s9+$0x0], $0xffff  }
0x1ed: {  	v12 =	vsub.f32 v12, v5  }
0x1ee: {  	s22 =	sadd.s32 $0xFFFFFFF7, s16;
	v14 =	vld.idx.msk [tilespmem:v26+s9+$0x0], $0xffff  }
0x1ef: {  	v27 =	vadd.s32 s22, v0;
	v12 =	vmul.f32 v12, v7  }
0x1f0: {  	v15 =	vand.u32 $0x3FF, v27  }
0x1f1: {  	v28 =	vor.u32 v3, v15;
	v11 =	vmul.f32 v12, v11;
	_ =	sdelay $0x1  }
0x1f2: {  	v11 =	vadd.f32 v11, v14;
	_ =	sdelay $0x1  }
0x1f3: {  	v29 =	vor.u32 v6, v15;
	[tilespmem:v24+s12+$0x0] =	vst.idx.msk $0xffff, v11  }
0x1f4: {  	v13 =	vld.idx.msk [tilespmem:v28+s2+$0x0], $0xffff  }
0x1f5: {  	v30 =	vor.u32 v15, v8;
	_ =	sdelay $0x2  }
0x1f6: {  	v11 =	vld.idx.msk [tilespmem:v29+s9+$0x0], $0xffff  }
0x1f7: {  	v13 =	vsub.f32 v13, v5  }
0x1f8: {  	s23 =	sadd.s32 $0xFFFFFFF8, s16;
	v14 =	vld.idx.msk [tilespmem:v30+s9+$0x0], $0xffff  }
0x1f9: {  	v31 =	vadd.s32 s23, v0;
	v13 =	vmul.f32 v13, v7  }
0x1fa: {  	v15 =	vand.u32 $0x3FF, v31  }
0x1fb: {  	v32 =	vor.u32 v3, v15;
	v11 =	vmul.f32 v13, v11;
	_ =	sdelay $0x1  }
0x1fc: {  	v11 =	vadd.f32 v11, v14;
	_ =	sdelay $0x1  }
0x1fd: {  	v33 =	vor.u32 v6, v15;
	[tilespmem:v28+s12+$0x0] =	vst.idx.msk $0xffff, v11  }
0x1fe: {  	v12 =	vld.idx.msk [tilespmem:v32+s2+$0x0], $0xffff  }
0x1ff: {  	v34 =	vor.u32 v15, v8;
	_ =	sdelay $0x2  }
0x200: {  	v11 =	vld.idx.msk [tilespmem:v33+s9+$0x0], $0xffff  }
0x201: {  	v12 =	vsub.f32 v12, v5  }
0x202: {  	s24 =	sadd.s32 $0xFFFFFFF9, s16;
	v14 =	vld.idx.msk [tilespmem:v34+s9+$0x0], $0xffff  }
0x203: {  	v35 =	vadd.s32 s24, v0;
	v12 =	vmul.f32 v12, v7  }
0x204: {  	v15 =	vand.u32 $0x3F8, v35  }
0x205: {  	v36 =	vor.u32 v2, v15;
	v11 =	vmul.f32 v12, v11;
	_ =	sdelay $0x1  }
0x206: {  	v11 =	vadd.f32 v11, v14;
	_ =	sdelay $0x1  }
0x207: {  	v9 =	vor.u32 v15, v9;
	[tilespmem:v32+s12+$0x0] =	vst.idx.msk $0xffff, v11  }
0x208: {  	v11 =	vld.idx.msk [tilespmem:v36+s2+$0x0], $0xffff  }
0x209: {  	v10 =	vor.u32 v15, v10;
	_ =	sdelay $0x2  }
0x20a: {  	v9 =	vld.idx.msk [tilespmem:v9+s9+$0x0], $0xffff  }
0x20b: {  	v11 =	vsub.f32 v11, v5  }
0x20c: {  	s25 =	sadd.s32 $0xFFFFFFFA, s16;
	v10 =	vld.idx.msk [tilespmem:v10+s9+$0x0], $0xffff  }
0x20d: {  	v37 =	vadd.s32 s25, v0;
	v11 =	vmul.f32 v11, v7  }
0x20e: {  	v13 =	vand.u32 $0x3FF, v37  }
0x20f: {  	v38 =	vor.u32 v3, v13;
	v9 =	vmul.f32 v11, v9;
	_ =	sdelay $0x1  }
0x210: {  	v9 =	vadd.f32 v9, v10;
	_ =	sdelay $0x1  }
0x211: {  	v39 =	vor.u32 v6, v13;
	[tilespmem:v36+s12+$0x0] =	vst.idx.msk $0xffff, v9  }
0x212: {  	v9 =	vld.idx.msk [tilespmem:v38+s2+$0x0], $0xffff  }
0x213: {  	v40 =	vor.u32 v13, v8;
	_ =	sdelay $0x2  }
0x214: {  	v10 =	vld.idx.msk [tilespmem:v39+s9+$0x0], $0xffff  }
0x215: {  	v9 =	vsub.f32 v9, v5  }
0x216: {  	s26 =	sadd.s32 $0xFFFFFFFB, s16;
	v12 =	vld.idx.msk [tilespmem:v40+s9+$0x0], $0xffff  }
0x217: {  	v41 =	vadd.s32 s26, v0;
	v9 =	vmul.f32 v9, v7  }
0x218: {  	v13 =	vand.u32 $0x3FF, v41  }
0x219: {  	v42 =	vor.u32 v3, v13;
	v9 =	vmul.f32 v9, v10;
	_ =	sdelay $0x1  }
0x21a: {  	v9 =	vadd.f32 v9, v12;
	_ =	sdelay $0x1  }
0x21b: {  	v43 =	vor.u32 v6, v13;
	[tilespmem:v38+s12+$0x0] =	vst.idx.msk $0xffff, v9  }
0x21c: {  	v9 =	vld.idx.msk [tilespmem:v42+s2+$0x0], $0xffff  }
0x21d: {  	v44 =	vor.u32 v13, v8;
	_ =	sdelay $0x2  }
0x21e: {  	v12 =	vld.idx.msk [tilespmem:v43+s9+$0x0], $0xffff  }
0x21f: {  	v9 =	vsub.f32 v9, v5  }
0x220: {  	s28 =	sadd.s32 $0xFFFFFFFC, s16;
	v11 =	vld.idx.msk [tilespmem:v44+s9+$0x0], $0xffff  }
0x221: {  	v45 =	vadd.s32 s28, v0;
	v9 =	vmul.f32 v9, v7  }
0x222: {  	v13 =	vand.u32 $0x3FF, v45  }
0x223: {  	v46 =	vor.u32 v3, v13;
	v9 =	vmul.f32 v9, v12;
	_ =	sdelay $0x1  }
0x224: {  	v9 =	vadd.f32 v9, v11;
	_ =	sdelay $0x1  }
0x225: {  	v47 =	vor.u32 v6, v13;
	[tilespmem:v42+s12+$0x0] =	vst.idx.msk $0xffff, v9  }
0x226: {  	v9 =	vld.idx.msk [tilespmem:v46+s2+$0x0], $0xffff  }
0x227: {  	v48 =	vor.u32 v13, v8;
	_ =	sdelay $0x2  }
0x228: {  	v11 =	vld.idx.msk [tilespmem:v47+s9+$0x0], $0xffff  }
0x229: {  	v9 =	vsub.f32 v9, v5  }
0x22a: {  	s29 =	sadd.s32 $0xFFFFFFFD, s16;
	v10 =	vld.idx.msk [tilespmem:v48+s9+$0x0], $0xffff  }
0x22b: {  	v49 =	vadd.s32 s29, v0;
	v9 =	vmul.f32 v9, v7  }
0x22c: {  	v13 =	vand.u32 $0x3FF, v49  }
0x22d: {  	v50 =	vor.u32 v3, v13;
	v9 =	vmul.f32 v9, v11;
	_ =	sdelay $0x1  }
0x22e: {  	v9 =	vadd.f32 v9, v10;
	_ =	sdelay $0x1  }
0x22f: {  	v51 =	vor.u32 v6, v13;
	[tilespmem:v46+s12+$0x0] =	vst.idx.msk $0xffff, v9  }
0x230: {  	v9 =	vld.idx.msk [tilespmem:v50+s2+$0x0], $0xffff  }
0x231: {  	v52 =	vor.u32 v13, v8;
	_ =	sdelay $0x2  }
0x232: {  	v10 =	vld.idx.msk [tilespmem:v51+s9+$0x0], $0xffff  }
0x233: {  	v9 =	vsub.f32 v9, v5  }
0x234: {  	s30 =	sadd.s32 $0xFFFFFFFE, s16;
	v12 =	vld.idx.msk [tilespmem:v52+s9+$0x0], $0xffff  }
0x235: {  	v53 =	vadd.s32 s30, v0;
	v9 =	vmul.f32 v9, v7  }
0x236: {  	v13 =	vand.u32 $0x3FF, v53  }
0x237: {  	v54 =	vor.u32 v3, v13;
	v9 =	vmul.f32 v9, v10;
	_ =	sdelay $0x1  }
0x238: {  	v9 =	vadd.f32 v9, v12;
	_ =	sdelay $0x1  }
0x239: {  	v55 =	vor.u32 v6, v13;
	[tilespmem:v50+s12+$0x0] =	vst.idx.msk $0xffff, v9  }
0x23a: {  	v9 =	vld.idx.msk [tilespmem:v54+s2+$0x0], $0xffff  }
0x23b: {  	v56 =	vor.u32 v13, v8;
	_ =	sdelay $0x2  }
0x23c: {  	v12 =	vld.idx.msk [tilespmem:v55+s9+$0x0], $0xffff  }
0x23d: {  	v9 =	vsub.f32 v9, v5  }
0x23e: {  	s31 =	sadd.s32 $0xFFFFFFFF, s16;
	v11 =	vld.idx.msk [tilespmem:v56+s9+$0x0], $0xffff  }
0x23f: {  	v57 =	vadd.s32 s31, v0;
	v9 =	vmul.f32 v9, v7  }
0x240: {  	v13 =	vand.u32 $0x3FF, v57  }
0x241: {  	v58 =	vor.u32 v3, v13;
	v9 =	vmul.f32 v9, v12;
	_ =	sdelay $0x1  }
0x242: {  	v9 =	vadd.f32 v9, v11;
	_ =	sdelay $0x1  }
0x243: {  	v59 =	vor.u32 v6, v13;
	[tilespmem:v54+s12+$0x0] =	vst.idx.msk $0xffff, v9  }
0x244: {  	v9 =	vld.idx.msk [tilespmem:v58+s2+$0x0], $0xffff  }
0x245: {  	v60 =	vor.u32 v13, v8;
	_ =	sdelay $0x2  }
0x246: {  	v11 =	vld.idx.msk [tilespmem:v59+s9+$0x0], $0xffff  }
0x247: {  	v9 =	vsub.f32 v9, v5  }
0x248: {  	v10 =	vld.idx.msk [tilespmem:v60+s9+$0x0], $0xffff  }
0x249: {  	v61 =	vadd.s32 s16, v0;
	v9 =	vmul.f32 v9, v7  }
0x24a: {  	v13 =	vand.u32 $0x3FF, v61  }
0x24b: {  	v62 =	vor.u32 v3, v13;
	v9 =	vmul.f32 v9, v11;
	_ =	sdelay $0x1  }
0x24c: {  	v9 =	vadd.f32 v9, v10;
	_ =	sdelay $0x1  }
0x24d: {  	v6 =	vor.u32 v6, v13;
	[tilespmem:v58+s12+$0x0] =	vst.idx.msk $0xffff, v9  }
0x24e: {  	v9 =	vld.idx.msk [tilespmem:v62+s2+$0x0], $0xffff  }
0x24f: {  	v63 =	vor.u32 v13, v8;
	_ =	sdelay $0x2  }
0x250: {  	v6 =	vld.idx.msk [tilespmem:v6+s9+$0x0], $0xffff  }
0x251: {  	v5 =	vsub.f32 v9, v5  }
0x252: {  	v8 =	vld.idx.msk [tilespmem:v63+s9+$0x0], $0xffff  }
0x253: {  	v5 =	vmul.f32 v5, v7;
	_ =	sdelay $0x1  }
0x254: {  	v5 =	vmul.f32 v5, v6;
	_ =	sdelay $0x1  }
0x255: {  	s14 =	sadd.s32 $0x1, s14;
	v5 =	vadd.f32 v5, v8  }
0x256: {  	p0 =	sne.s32 s14, $0x10  }
.Ltmp2:
0x257: {  	s15 =	sadd.s32 s6, s15;
	[tilespmem:v62+s12+$0x0] =	vst.idx.msk $0xffff, v5;
	(pc) =	sbr.rel @p0 .LBB2_2-.Ltmp2, $4  }
0x258: {  	[hbm4b:s15+s2] =	stream.linear.scatter [tilespmem:s12], [sflag:$0x1], $0x4000, $0x38;
	[tilespmem:$0xA010] =	vst v63  }
0x259: {  	_ =	swait.ge [sflag:s10], $0x4000  }
0x25a: {  	[sflag:s10] =	ssyncset.done $0x0  }
0x25b: {  	[sflag:s10] =	ssyncadd.s32 $0xFFFFC000  }
0x25c: {  	s13 =	sadd.s32 $0x1, s13  }
0x25d: {  	p0 =	sne.s32 s13, s8  }
.Ltmp3:
0x25e: {  	_ = 	snop;
	(pc) =	sbr.rel @p0 .LBB2_1-.Ltmp3, $1  }
0x25f: {  	_ =	sdelay $0x3  }
0x260: {  	_ =	sfence.sel $0x180000  }
0x261: {  	[bflag:$0x0] =	sbarrier.arrive $0xFFFF  }
0x262: {  	p0 =	sne.s32 s4, $0x0;
	_ =	strace $0x9000004A  }
0x263: {  	s0 =	sadd.s32 @!p0 $0x100000, s0;
	[bflag:$0x2] =	sbarrier.arrive $0xFFFF  }
0x264: {  	[sflag:s0] =	ssyncadd.tile.s32 @!p0 $0x1;
	_ =	shalt  }
.Lfunc_end2:
_tile_overlayer_lowered:
.L_overlay_start_2:
0x265: {  	(tag) =	ssettag $0x2  }
0x266: {  	s0 =	rddreg [dreg:$0x0];
	s2 =	stileid.u32  }
0x267: {  	s1 =	rddreg [dreg:$0x1];
	p0 =	sne.s32 s2, $0x0  }
0x268: {  	s3 =	rddreg [dreg:$0x2];
	[bflag:$0x3] =	sbarrier.arrive $0xFFFF;
	s2 =	simm.s32 @!p0 $0x1C01  }
0x269: {  	[timem:s3], [sflag:s2] =	dma.local @!p0 [hbm:s0], s1  }
0x26a: {  	s0 =	simm.s32 @!p0 $0x1  }
0x26b: {  	_ =	swait.ge @!p0 [sflag:s0], s1  }
0x26c: {  	s1 =	ssub.s32 @!p0 $0x0, s1;
	[sflag:s0] =	ssyncset.done @!p0 $0x0  }
0x26d: {  	[sflag:s0] =	ssyncadd.s32 @!p0 s1  }
0x26e: {  	[bflag:$0x3] =	sbarrier.arrive $0xFFFF  }
0x26f: {  	_ =	shalt  }

// kernel: sparse-core-data-format-call.cloned.1.call-start
scs
called_computation_lowered:
.L_overlay_start_0:
0x0: {  	s2 =	sld [smem:$0x3FD9]  }
0x1: {  	s3 =	sld [smem:$0x3FFE];
	_ =	sdelay $0x1  }
0x2: {  	s1 =	srdreg.scid  }
0x3: {  	s0 =	sand.u32 $0x1, s1  }
0x4: {  	s19 =	sshll.u32 s0, $0xA;
	s2 =	sadd.s32 s3, s2  }
0x5: {  	s2 =	sadd.s32 s2, s19  }
0x6: {  	[smem:$0x3FC4] =	sst s2  }
0x7: {  	_ = 	snop  }
0x8: {  	s2 =	sld [smem:$0x3FC9]  }
0x9: {  	s20 =	sld [smem:$0x3FD0];
	(tm) =	ssettm $0x1  }
0xa: {  	s4 =	sld [smem:$0x3FFB];
	_ =	sdelay $0x3  }
0xb: {  	_ =	strace s4  }
0xc: {  	s4 =	sld [smem:$0x3FFC];
	_ =	sdelay $0x3  }
0xd: {  	_ =	strace s4  }
0xe: {  	s4 =	sld [smem:$0x3FFD];
	_ =	sdelay $0x3  }
0xf: {  	_ =	strace s4  }
0x10: {  	_ =	strace $0x8FFFFFFF  }
0x11: {  	s21 =	sld [smem:$0x3FDB];
	_ =	sdelay $0x1  }
0x12: {  	s5 =	simm.s32 $_scs_section_size  }
0x13: {  	s6 =	simm.s32 $_size__tile_overlayer_lowered;
	s7 =	simm.s32 $_tile_overlayer_lowered  }
0x14: {  	s24 =	simm.s32 $0x1BFF;
	s23 =	sshll.u32 s7, $0x1;
	s4 =	sadd.s32 s5, s21  }
0x15: {  	s8 =	simm.s32 $0x0;
	s22 =	sshll.u32 s6, $0x1;
	s6 =	sadd.s32 s23, s4  }
0x16: {  	[timem:s8], [sflag:s24] =	dma.local [hbm:s6], s22  }
0x17: {  	_ =	swait.ge [sflag:s24], s22  }
0x18: {  	s5 =	ssub.s32 $0x0, s22;
	[sflag:s24] =	ssyncset.done $0x0  }
0x19: {  	[sflag:s24] =	ssyncadd.s32 s5;
	_ =	sdelay $0x1  }
0x1a: {  	s25 =	simm.s32 $0x1B8B  }
0x1b: {  	_ =	swait.ge [sflag:s25], $0x1  }
0x1c: {  	[sflag:s25] =	ssyncset.done $0x0  }
0x1d: {  	s26 =	simm.s32 $0x1B8E;
	[sflag:s25] =	ssyncadd.s32 $0xFFFFFFFF  }
0x1e: {  	s27 =	simm.s32 $execute0_lowered;
	[smem:$0x3FD2] =	sst s26  }
0x1f: {  	s5 =	sshll.u32 s27, $0x1;
	_ =	strace $0x80000046;
	[dreg:$0x1] =	wrdreg $0xFFFFFFFF  }
0x20: {  	s28 =	simm.s32 $_size_execute0_lowered;
	s4 =	sadd.s32 s4, s5;
	[dreg:$0x0] =	wrdreg $0x0  }
0x21: {  	s5 =	sshll.u32 s28, $0x1;
	[dreg:$0x2] =	wrdreg s4  }
0x22: {  	[dreg:$0x3] =	wrdreg s5  }
0x23: {  	[dreg:$0x4] =	wrdreg $0xC0  }
0x24: {  	_ =	task [dreg:s8], $0x5FFFF  }
0x25: {  	[dreg:$0x1] =	wrdreg $0xFFFFFFFF  }
0x26: {  	[dreg:$0x0] =	wrdreg $0x60  }
0x27: {  	[dreg:$0x2] =	wrdreg s2  }
0x28: {  	[dreg:$0x3] =	wrdreg s20  }
0x29: {  	[dreg:$0x4] =	wrdreg $0x9  }
0x2a: {  	_ =	task.clear_ibuf [dreg:s8], $0x5FFFF;
	_ =	strace $0x90000046  }
0x2b: {  	s29 =	simm.s32 $0x9;
	_ =	strace $0x80000048  }
0x2c: {  	_ =	swait.ge [sflag:s29], $0x1  }
0x2d: {  	[sflag:s29] =	ssyncadd.s32 $0xFFFFFFFF  }
0x2e: {  	_ =	strace $0x90000048  }
0x2f: {  	_ =	sfence  }
0x30: {  	s30 =	sld [smem:$0x0];
	_ =	sdelay $0x2  }
0x31: {  	s31 =	sshll.u32 s1, $0xD;
	s1 =	sshrl.u32 s1, $0x2  }
0x32: {  	s3 =	sand.u32 $0x4000, s31;
	s1 =	sadd.s32 s1, s30  }
0x33: {  	s0 =	sor.u32 s3, s0;
	s1 =	sshll.u32 s1, $0x11  }
0x34: {  	s0 =	sor.u32 s1, s0  }
0x35: {  	s0 =	sadd.s32 $0x8F2B, s0  }
0x36: {  	[sflag:s0] =	ssyncadd.remote.s32 $0x1  }
0x37: {  	_ =	sfence.sel $0xFFFF  }
0x38: {  	[dreg:$0x0] =	wrdreg $0xFFFFFFFF;
	(pc) =	sbr.abs _section_cstart, $3  }
0x39: {  	[dreg:$0x1] =	wrdreg $0xFFFFFFFF  }
0x3a: {  	_ =	task.clear_ibuf [dreg:s8], $0x2FFFF;
	_ =	strace $0x9FFFFFFF  }
0x3b: {  	(tm) =	ssettm $0x7FFFFFFF  }
tec
execute0_lowered:
.L_overlay_start_1:
0x0: {  	(tag) =	ssettag $0x1  }
0x1: {  	s0 =	srdreg.scid  }
0x2: {  	s1 =	sshll.u32 s0, $0x4  }
0x3: {  	s2 =	rddreg [dreg:$0x0];
	s0 =	stileid.u32;
	s1 =	sand.u32 $0x10, s1  }
0x4: {  	s4 =	rddreg [dreg:$0x1];
	s1 =	sor.u32 s0, s1  }
0x5: {  	s7 =	simm.s32 $0x1;
	s8 =	simm.s32 $0x2;
	s3 =	sshll.u32 s1, $0x1  }
0x6: {  	s9 =	simm.s32 $0x0;
	s12 =	simm.s32 $0x0;
	s6 =	ssub.s32 $0x400, s3  }
.Ltmp0:
0x7: {  	s11 =	simm.s32 $0x0;
	s5 =	sand.u32 $0x3E, s6;
	(pc) =	sbr.rel .LBB1_1-.Ltmp0, $4  }
0x8: {  	s1 =	rddreg [dreg:$0x2];
	_ =	strace $0x80000047;
	p0 =	sne.s32 s5, $0x0  }
0x9: {  	s6 =	sshrl.u32 s6, $0x6;
	s5 =	simm.s32 $0x1;
	s7 =	simm.s32 @!p0 $0x0  }
0xa: {  	s10 =	smov.u32 s3;
	[sflag:s5] =	ssyncpa.u1 $0x0;
	s6 =	sadd.s32 s7, s6  }
0xb: {  	[sflag:s8] =	ssyncpa.u1 $0x0;
	s8 =	simm.s32 $0x0;
	s7 =	sadd.s32 $0x1, s6  }
.LBB1_9:
0xc: {  	s14 =	sadd.s32 $0x40, s10  }
0xd: {  	p1 =	sgt.s32 s14, $0x3FF  }
0xe: {  	s14 =	smov.u32 @p1 s3;
	p1 =	sne.s32 s11, s7  }
.Ltmp1:
0xf: {  	p0 =	slt.u32 s11, $0x2;
	(pc) =	sbr.rel @!p1 .LBB1_10-.Ltmp1, $4  }
0x10: {  	s13 =	simm.s32 @!p0 $0x2  }
0x11: {  	s15 =	sadd.s32 $0x1, s11;
	_ =	swait.ge @!p0 [sflag:s13], $0x4000  }
0x12: {  	s12 =	smov.u32 s10;
	s9 =	sadd.s32 $0x4000, s9;
	[sflag:s13] =	ssyncset.done @!p0 $0x0  }
0x13: {  	s11 =	smov.u32 s15;
	s10 =	smov.u32 s14;
	[sflag:s13] =	ssyncadd.s32 @!p0 $0xFFFFC000  }
.LBB1_1:
0x14: {  	p0 =	sge.u32 s11, s6  }
0x15: {  	s13 =	sxor.u32 @!p0 $0xFFFFFFFF, s11  }
0x16: {  	s31 =	sadd.s32 $0xFFFFFFFF, s11;
	s14 =	sshll.u32 @!p0 s10, $0xA;
	s13 =	sshll.u32 @!p0 s13, $0xE  }
0x17: {  	s15 =	simm.s32 @!p0 $0x0;
	s14 =	sadd.s32 @!p0 s2, s14;
	s13 =	sand.u32 @!p0 $0x4000, s13  }
0x18: {  	[tilespmem:s13], [sflag:$0x1] =	stream.linear.gather @!p0 [hbm4b:s14+s15], $0x4000, $0x38;
	[tilespmem:$0x10000] =	vst v63  }
0x19: {  	p0 =	sge.u32 s31, s6  }
.Ltmp2:
0x1a: {  	_ = 	snop;
	(pc) =	sbr.rel @p0 .LBB1_9-.Ltmp2, $1  }
0x1b: {  	_ =	sdelay $0x3  }
0x1c: {  	s13 =	sshll.u32 s9, $0x2  }
0x1d: {  	_ =	swait.ge [sflag:s5], $0x4000;
	s14 =	sshll.u32 s11, $0xE;
	s16 =	simm.s32 $0x0  }
0x1e: {  	p1 =	por $0x1, $0x1;
	s13 =	sand.u32 $0x10000, s13;
	[sflag:s5] =	ssyncset.done $0x0  }
0x1f: {  	s14 =	sand.u32 $0x4000, s14;
	s15 =	sshrl.u32 s13, $0x2;
	[sflag:s5] =	ssyncadd.s32 $0xFFFFC000  }
0x20: {  	s13 =	sor.u32 $0x8000, s14;
	s14 =	sadd.s32 $0x8040, s15;
	s15 =	sadd.s32 $0x40, s15  }
.LBB1_3:
0x21: {  	s16 =	sshll.u32 s16, $0x2  }
0x22: {  	p0 =	por p1, p1;
	s17 =	sshra.s32 s16, $0x2  }
0x23: {  	s18 =	simm.s32 $0x0;
	s16 =	sadd.s32 s17, s14;
	s17 =	sadd.s32 s17, s15  }
.LBB1_4:
0x24: {  	v0 =	vmov s17;
	_ =	sdelay $0x3  }
0x25: {  	s20 =	simm.s32 $0x0  }
0x26: {  	v6 =	vld.idx.msk [tilespmem:v0+s20+$0x30 ss:$0x1], $0xffff  }
0x27: {  	v7 =	vld.idx.msk [tilespmem:v0+s20+$0xFFFFFFC0 ss:$0x1], $0xffff  }
0x28: {  	v5 =	vld.idx.msk [tilespmem:v0+s20+$0xFFFFFFD0 ss:$0x1], $0xffff  }
0x29: {  	v4 =	vld.idx.msk [tilespmem:v0+s20+$0xFFFFFFE0 ss:$0x1], $0xffff  }
0x2a: {  	v3 =	vld.idx.msk [tilespmem:v0+s20+$0xFFFFFFF0 ss:$0x1], $0xffff  }
0x2b: {  	v1 =	vld.idx.msk [tilespmem:v0+s20+$0x0 ss:$0x1], $0xffff  }
0x2c: {  	v2 =	vld.idx.msk [tilespmem:v0+s20+$0x10 ss:$0x1], $0xffff;
	[tilespmem:s16+$0x30] =	vst v6  }
0x2d: {  	s19 =	simm.s32 $0x80;
	s21 =	simm.s32 $0x400;
	[tilespmem:s16+$0xFFFFFFC0] =	vst v7;
	v6 =	vld.idx.msk [tilespmem:v0+s20+$0x20 ss:$0x1], $0xffff;
	s20 =	smov.u32 s16  }
.LBB1_5:
0x2e: {  	p1 =	sne.s32 s21, $0xE00;
	v7 =	vld.idx.msk [tilespmem:v0+s19+$0x30 ss:$0x1], $0xffff;
	[tilespmem:s20+$0xFFFFFFD0] =	vst v5  }
0x2f: {  	v8 =	vld.idx.msk [tilespmem:v0+s19+$0xFFFFFFC0 ss:$0x1], $0xffff;
	[tilespmem:s20+$0xFFFFFFE0] =	vst v4  }
0x30: {  	v5 =	vld.idx.msk [tilespmem:v0+s19+$0xFFFFFFD0 ss:$0x1], $0xffff;
	[tilespmem:s20+$0xFFFFFFF0] =	vst v3  }
.Ltmp3:
0x31: {  	v4 =	vld.idx.msk [tilespmem:v0+s19+$0xFFFFFFE0 ss:$0x1], $0xffff;
	[tilespmem:s20+$0x0] =	vst v1;
	(pc) =	sbr.rel @p1 .LBB1_5-.Ltmp3, $4  }
0x32: {  	v3 =	vld.idx.msk [tilespmem:v0+s19+$0xFFFFFFF0 ss:$0x1], $0xffff;
	[tilespmem:s20+$0x10] =	vst v2  }
0x33: {  	v1 =	vld.idx.msk [tilespmem:v0+s19+$0x0 ss:$0x1], $0xffff;
	[tilespmem:s20+$0x20] =	vst v6;
	s20 =	sadd.s32 $0x400, s20  }
0x34: {  	v2 =	vld.idx.msk [tilespmem:v0+s19+$0x10 ss:$0x1], $0xffff;
	[tilespmem:s20+$0x30] =	vst v7  }
0x35: {  	[tilespmem:s20+$0xFFFFFFC0] =	vst v8;
	v6 =	vld.idx.msk [tilespmem:v0+s19+$0x20 ss:$0x1], $0xffff;
	s19 =	sshra.s32 s21, $0x2;
	s21 =	sadd.s32 $0x200, s21  }
0x36: {  	_ =	sdelay $0x2  }
0x37: {  	[tilespmem:s20+$0xFFFFFFD0] =	vst v5  }
0x38: {  	v56 =	vld.idx.msk [tilespmem:v0+s19+$0x30 ss:$0x1], $0xffff;
	[tilespmem:s20+$0xFFFFFFE0] =	vst v4  }
0x39: {  	v57 =	vld.idx.msk [tilespmem:v0+s19+$0xFFFFFFC0 ss:$0x1], $0xffff;
	[tilespmem:s20+$0xFFFFFFF0] =	vst v3  }
0x3a: {  	v58 =	vld.idx.msk [tilespmem:v0+s19+$0xFFFFFFD0 ss:$0x1], $0xffff;
	[tilespmem:s20+$0x0] =	vst v1  }
0x3b: {  	v59 =	vld.idx.msk [tilespmem:v0+s19+$0xFFFFFFE0 ss:$0x1], $0xffff;
	[tilespmem:s20+$0x10] =	vst v2  }
0x3c: {  	v60 =	vld.idx.msk [tilespmem:v0+s19+$0xFFFFFFF0 ss:$0x1], $0xffff;
	s31 =	sadd.s32 $0x400, s20;
	[tilespmem:s20+$0x20] =	vst v6  }
0x3d: {  	v61 =	vld.idx.msk [tilespmem:v0+s19+$0x0 ss:$0x1], $0xffff;
	[tilespmem:s31+$0x30] =	vst v56  }
0x3e: {  	v62 =	vld.idx.msk [tilespmem:v0+s19+$0x10 ss:$0x1], $0xffff;
	s18 =	sadd.s32 $0x1, s18;
	[tilespmem:s31+$0xFFFFFFC0] =	vst v57  }
0x3f: {  	v63 =	vld.idx.msk [tilespmem:v0+s19+$0x20 ss:$0x1], $0xffff;
	p1 =	sne.s32 s18, $0x8;
	[tilespmem:s31+$0xFFFFFFD0] =	vst v58  }
.Ltmp4:
0x40: {  	[tilespmem:s31+$0xFFFFFFE0] =	vst v59;
	(pc) =	sbr.rel @p1 .LBB1_4-.Ltmp4, $4  }
0x41: {  	[tilespmem:s31+$0xFFFFFFF0] =	vst v60  }
0x42: {  	[tilespmem:s31+$0x0] =	vst v61  }
0x43: {  	[tilespmem:s31+$0x10] =	vst v62  }
0x44: {  	s16 =	sadd.s32 $0x80, s16;
	s17 =	sadd.s32 $0x400, s17;
	[tilespmem:s31+$0x20] =	vst v63  }
.Ltmp5:
0x45: {  	(pc) =	sbr.rel @p0 .LBB1_3-.Ltmp5, $2  }
0x46: {  	_ =	sdelay $0x2  }
0x47: {  	s16 =	simm.s32 $0x2000;
	p1 =	por $0x0, $0x0  }
.Ltmp6:
0x48: {  	(pc) =	sbr.rel .LBB1_9-.Ltmp6, $4  }
0x49: {  	_ = 	snop  }
0x4a: {  	s12 =	sshll.u32 s12, $0xA  }
0x4b: {  	s12 =	sadd.s32 s4, s12  }
0x4c: {  	[hbm4b:s12+s8] =	stream.linear.scatter [tilespmem:s13], [sflag:$0x2], $0x4000, $0x38;
	[tilespmem:$0x10000] =	vst v63  }
.LBB1_10:
0x4d: {  	_ =	sfence.sel $0x180000  }
0x4e: {  	s2 =	simm.s32 $0x1;
	[bflag:$0x0] =	sbarrier.arrive $0xFFFF  }
0x4f: {  	s31 =	simm.s32 $0x2;
	[sflag:s2] =	ssyncpa.u1 $0x1  }
0x50: {  	[sflag:s31] =	ssyncpa.u1 $0x1  }
0x51: {  	p0 =	sne.s32 s0, $0x0;
	_ =	strace $0x90000047  }
0x52: {  	s0 =	sadd.s32 @!p0 $0x100000, s1;
	[bflag:$0x2] =	sbarrier.arrive $0xFFFF  }
0x53: {  	[sflag:s0] =	ssyncadd.tile.s32 @!p0 $0x1;
	_ =	shalt  }
.Lfunc_end1:
_tile_overlayer_lowered:
.L_overlay_start_2:
0x54: {  	(tag) =	ssettag $0x2  }
0x55: {  	s0 =	rddreg [dreg:$0x0];
	s2 =	stileid.u32  }
0x56: {  	s1 =	rddreg [dreg:$0x1];
	p0 =	sne.s32 s2, $0x0  }
0x57: {  	s3 =	rddreg [dreg:$0x2];
	[bflag:$0x3] =	sbarrier.arrive $0xFFFF;
	s2 =	simm.s32 @!p0 $0x1C01  }
0x58: {  	[timem:s3], [sflag:s2] =	dma.local @!p0 [hbm:s0], s1  }
0x59: {  	s0 =	simm.s32 @!p0 $0x1  }
0x5a: {  	_ =	swait.ge @!p0 [sflag:s0], s1  }
0x5b: {  	s1 =	ssub.s32 @!p0 $0x0, s1;
	[sflag:s0] =	ssyncset.done @!p0 $0x0  }
0x5c: {  	[sflag:s0] =	ssyncadd.s32 @!p0 s1  }
0x5d: {  	[bflag:$0x3] =	sbarrier.arrive $0xFFFF  }
0x5e: {  	_ =	shalt  }

</sc_bundles>
